<compile_context>
chip_gen: v7x
topology: tpu7x:2x2x1
jax: 0.10.2.dev20260603
libtpu: 0.0.44.dev20260713+nightly
codegen_flags: <defaults>
</compile_context>

<pallas_src>
import functools

import jax
import jax.numpy as jnp
from jax import lax
from jax.experimental import pallas as pl
from jax.experimental.pallas import tpu as pltpu
from jax.experimental.pallas import tpu_sc as plsc

VOCAB = 8192
EMBED = 256
NTOK = 16
OBS_DIM = 128

_HI = lax.Precision.HIGHEST


_ENC_MB = 512


def _enc_body(obs_ref, w_ref, b_ref, out_ref):
    out_ref[...] = (
        jnp.dot(obs_ref[...], w_ref[...], preferred_element_type=jnp.float32,
                precision=_HI)
        + b_ref[...])


def _encode(obs, enc_W, enc_b):
    b = obs.shape[0]
    n = NTOK * EMBED
    return pl.pallas_call(
        _enc_body,
        grid=(b // _ENC_MB,),
        in_specs=[
            pl.BlockSpec((_ENC_MB, OBS_DIM), lambda i: (i, 0)),
            pl.BlockSpec((OBS_DIM, n), lambda i: (0, 0)),
            pl.BlockSpec((1, n), lambda i: (0, 0)),
        ],
        out_specs=pl.BlockSpec((_ENC_MB, n), lambda i: (i, 0)),
        out_shape=jax.ShapeDtypeStruct((b, n), jnp.float32),
    )(obs, enc_W, enc_b.reshape(1, n))



_RB = 2048
_VB = 2048


def _argmin_body(z_ref, cb_ref, out_ref, rmin_ref, rarg_ref):
    v = pl.program_id(1)
    z = z_ref[...]
    cb = cb_ref[...]
    bn = jnp.sum(cb * cb, axis=1, keepdims=True)
    zb = (2.0 * z).astype(jnp.bfloat16)
    cbb = cb.astype(jnp.bfloat16)
    m = lax.dot_general(zb, cbb, (((1,), (1,)), ((), ())),
                        preferred_element_type=jnp.float32)
    dist = bn.T - m
    tmin = jnp.min(dist, axis=1, keepdims=True)
    jidx = lax.broadcasted_iota(jnp.int32, dist.shape, 1)
    targ = jnp.min(jnp.where(dist == tmin, jidx, VOCAB), axis=1,
                   keepdims=True) + v * _VB

    @pl.when(v == 0)
    def _():
        rmin_ref[...] = tmin
        rarg_ref[...] = targ

    @pl.when(v > 0)
    def _():
        upd = tmin < rmin_ref[...]
        rmin_ref[...] = jnp.where(upd, tmin, rmin_ref[...])
        rarg_ref[...] = jnp.where(upd, targ, rarg_ref[...])

    @pl.when(v == pl.num_programs(1) - 1)
    def _():
        out_ref[...] = rarg_ref[...]


def _argmin_tokens(z_flat, codebook):
    rows = z_flat.shape[0]
    return pl.pallas_call(
        _argmin_body,
        grid=(rows // _RB, VOCAB // _VB),
        in_specs=[
            pl.BlockSpec((_RB, EMBED), lambda r, v: (r, 0)),
            pl.BlockSpec((_VB, EMBED), lambda r, v: (v, 0)),
        ],
        out_specs=pl.BlockSpec((_RB, 1), lambda r, v: (r, 0)),
        out_shape=jax.ShapeDtypeStruct((rows, 1), jnp.int32),
        scratch_shapes=[
            pltpu.VMEM((_RB, 1), jnp.float32),
            pltpu.VMEM((_RB, 1), jnp.int32),
        ],
    )(z_flat, codebook)



_NW = 32
_CH = 128


def _sc_gather(codebook, tokens3):
    nw, nch, ch = tokens3.shape
    rows = nw * nch * ch
    mesh = plsc.VectorSubcoreMesh(core_axis_name="c", subcore_axis_name="s")

    @functools.partial(
        pl.kernel,
        out_type=jax.ShapeDtypeStruct((rows, EMBED), jnp.float32),
        mesh=mesh,
        scratch_types=[
            pltpu.VMEM((nch, ch), jnp.int32),
            pltpu.VMEM((ch, EMBED), jnp.float32),
            pltpu.VMEM((ch, EMBED), jnp.float32),
            pltpu.SemaphoreType.DMA,
            pltpu.SemaphoreType.DMA,
        ],
        compiler_params=pltpu.CompilerParams(use_tc_tiling_on_sc=False),
    )
    def k(cb_hbm, idx_hbm, out_hbm, idx_v, rows0_v, rows1_v, sem0, sem1):
        wid = lax.axis_index("s") * 2 + lax.axis_index("c")
        base = wid * (nch * ch)
        pltpu.sync_copy(idx_hbm.at[wid], idx_v)

        pltpu.async_copy(cb_hbm.at[idx_v.at[0]], rows0_v, sem0)

        def body(c, carry):
            even = c % 2 == 0
            nxt = c + 1

            @pl.when(jnp.logical_and(nxt < nch, even))
            def _():
                pltpu.async_copy(cb_hbm.at[idx_v.at[nxt]], rows1_v, sem1)

            @pl.when(jnp.logical_and(nxt < nch, jnp.logical_not(even)))
            def _():
                pltpu.async_copy(cb_hbm.at[idx_v.at[nxt]], rows0_v, sem0)

            @pl.when(even)
            def _():
                pltpu.make_async_copy(cb_hbm.at[idx_v.at[0]], rows0_v, sem0).wait()
                pltpu.sync_copy(rows0_v, out_hbm.at[pl.ds(base + c * ch, ch)])

            @pl.when(jnp.logical_not(even))
            def _():
                pltpu.make_async_copy(cb_hbm.at[idx_v.at[0]], rows1_v, sem1).wait()
                pltpu.sync_copy(rows1_v, out_hbm.at[pl.ds(base + c * ch, ch)])

            return carry

        lax.fori_loop(0, nch, body, 0)

    return k(codebook, tokens3)



_DEC_MB = 512


def _dec_body(zq_ref, w_ref, b_ref, out_ref):
    out_ref[...] = (
        jnp.dot(zq_ref[...], w_ref[...], preferred_element_type=jnp.float32,
                precision=_HI)
        + b_ref[...])


def _decode(zq_flat, dec_W, dec_b):
    b = zq_flat.shape[0]
    n = NTOK * EMBED
    return pl.pallas_call(
        _dec_body,
        grid=(b // _DEC_MB,),
        in_specs=[
            pl.BlockSpec((_DEC_MB, n), lambda i: (i, 0)),
            pl.BlockSpec((n, OBS_DIM), lambda i: (0, 0)),
            pl.BlockSpec((1, OBS_DIM), lambda i: (0, 0)),
        ],
        out_specs=pl.BlockSpec((_DEC_MB, OBS_DIM), lambda i: (i, 0)),
        out_shape=jax.ShapeDtypeStruct((b, OBS_DIM), jnp.float32),
    )(zq_flat, dec_W, dec_b.reshape(1, OBS_DIM))



def kernel(obs, enc_W, enc_b, dec_W, dec_b, codebook):
    b = obs.shape[0]
    rows = b * NTOK
    z2 = _encode(obs, enc_W, enc_b)
    z_flat = z2.reshape(rows, EMBED)
    tokens = _argmin_tokens(z_flat, codebook)
    tokens3 = tokens.reshape(_NW, rows // (_NW * _CH), _CH)
    zq_flat = _sc_gather(codebook, tokens3)
    rec = _decode(zq_flat.reshape(b, NTOK * EMBED), dec_W, dec_b)
    z = z2.reshape(b, NTOK, EMBED)
    z_q = zq_flat.reshape(b, NTOK, EMBED)
    return z, z_q, rec

# --- scband reference (transcript-rebuilt; emitter-appended) ---
"""Pipeline reference for scband-tokenizer-40458591929010 (READ-ONLY COPY).

The authoritative reference and input builder live on the scoring server;
editing this copy changes nothing except your own understanding.
"""

import jax, jax.numpy as jnp
import numpy as np

VOCAB = 8192
EMBED = 256
NTOK = 16
OBS_DIM = 128
B = 4096

def setup_inputs(seed: int = 0) -> dict:
    key = jax.random.key(seed)
    k0, k1, k2, k3, k4 = jax.random.split(key, 5)
    obs = jax.random.normal(k0, (B, OBS_DIM), dtype=jnp.float32)
    # encoder: Linear(obs_dim -> num_tokens*embed_dim)
    enc_W = jax.random.normal(k1, (OBS_DIM, NTOK * EMBED), dtype=jnp.float32) * (1.0 / np.sqrt(OBS_DIM))
    enc_b = jnp.zeros((NTOK * EMBED,), dtype=jnp.float32)
    # decoder: Linear(num_tokens*embed_dim -> obs_dim)
    dec_W = jax.random.normal(k2, (NTOK * EMBED, OBS_DIM), dtype=jnp.float32) * (1.0 / np.sqrt(NTOK * EMBED))
    dec_b = jnp.zeros((OBS_DIM,), dtype=jnp.float32)
    # codebook init: uniform(-1/vocab, 1/vocab) as in torch module
    codebook = jax.random.uniform(k3, (VOCAB, EMBED), dtype=jnp.float32, minval=-1.0 / VOCAB, maxval=1.0 / VOCAB)
    return {"obs": obs, "enc_W": enc_W, "enc_b": enc_b, "dec_W": dec_W, "dec_b": dec_b, "codebook": codebook}

def reference(obs, enc_W, enc_b, dec_W, dec_b, codebook):
    b = obs.shape[0]
    # encode
    z_flat_enc = obs @ enc_W + enc_b                    # (b, n*e)
    z = z_flat_enc.reshape(b, NTOK, EMBED)              # (b, n, e)
    z_flattened = z.reshape(b * NTOK, EMBED)            # (b*n, e)
    dist = (jnp.sum(z_flattened ** 2, axis=1, keepdims=True)
            + jnp.sum(codebook ** 2, axis=1)
            - 2.0 * z_flattened @ codebook.T)           # (b*n, vocab)
    tokens = jnp.argmin(dist, axis=-1)                  # (b*n,)
    z_q = jnp.take(codebook, tokens, axis=0).reshape(b, NTOK, EMBED)
    # straight-through estimator
    decoder_input = z + jax.lax.stop_gradient(z_q - z)
    rec = decoder_input.reshape(b, NTOK * EMBED) @ dec_W + dec_b
    return z, z_q, rec

if __name__ == "__main__":
    import jax
    _d = setup_inputs()
    print(jax.jit(kernel)(*tuple(_d.values())))

</pallas_src>

<mosaic_0001>
#map = affine_map<(d0, d1) -> (0, 0)>
#map1 = affine_map<(d0, d1) -> (0, 0, 0)>
module attributes {stable_mosaic.version = 14 : i64} {
  func.func @k(%arg0: i32, %arg1: i32, %arg2: memref<8192x256xf32, #tpu.memory_space<hbm>>, %arg3: memref<32x16x128xi32, #tpu.memory_space<hbm>>, %arg4: memref<65536x256xf32, #tpu.memory_space<hbm>>, %arg5: memref<16x128xi32, #tpu.memory_space<vmem>>, %arg6: memref<128x256xf32, #tpu.memory_space<vmem>>, %arg7: memref<128x256xf32, #tpu.memory_space<vmem>>, %arg8: memref<!tpu.dma_semaphore, #tpu.memory_space<semaphore_mem>>, %arg9: memref<!tpu.dma_semaphore, #tpu.memory_space<semaphore_mem>>) attributes {dimension_semantics = [#tpu.dimension_semantics<core_parallel>, #tpu.dimension_semantics<subcore_parallel>], iteration_bounds = array<i64: 2, 16>, scalar_prefetch = 0 : i64, scratch_operands = 5 : i64, tpu.core_type = #tpu.core_type<sc_vector_subcore>, window_params = [{transform_indices = #map}, {transform_indices = #map1}, {transform_indices = #map}]} {
    %mul3A = arith.constant 2 : i32
    %mul3A_0 = arith.muli %arg1, %mul3A : i32
    %add3A = arith.addi %mul3A_0, %arg0 : i32
    %mul3A_1 = arith.constant 2048 : i32
    %mul3A_2 = arith.muli %add3A, %mul3A_1 : i32
    "tpu.region"() ({
      %run_scoped3A = tpu.sem_alloc : memref<!tpu.dma_semaphore, #tpu.memory_space<semaphore_mem>>
      %dma_start3A_14 = arith.constant 0 : i32
      %dma_start3A_15 = arith.constant 0 : i32
      %dma_start3A_16 = tpu.memref_slice %arg3[%add3A, %dma_start3A_14, %dma_start3A_15] : memref<32x16x128xi32, #tpu.memory_space<hbm>> -> memref<1x16x128xi32, #tpu.memory_space<hbm>>
      %dma_start3A_17 = tpu.memref_squeeze %dma_start3A_16 : memref<1x16x128xi32, #tpu.memory_space<hbm>> -> memref<16x128xi32, #tpu.memory_space<hbm>>
      %dma_start3A_18 = arith.constant 0 : i32
      %dma_start3A_19 = arith.constant 0 : i32
      %dma_start3A_20 = tpu.memref_slice %arg3[%add3A, %dma_start3A_18, %dma_start3A_19] : memref<32x16x128xi32, #tpu.memory_space<hbm>> -> memref<1x16x128xi32, #tpu.memory_space<hbm>>
      %dma_start3A_21 = tpu.memref_squeeze %dma_start3A_20 : memref<1x16x128xi32, #tpu.memory_space<hbm>> -> memref<16x128xi32, #tpu.memory_space<hbm>>
      tpu.enqueue_dma source(%dma_start3A_21 : memref<16x128xi32, #tpu.memory_space<hbm>>) target(%arg5 : memref<16x128xi32, #tpu.memory_space<vmem>>) target_semaphore(%run_scoped3A : memref<!tpu.dma_semaphore, #tpu.memory_space<semaphore_mem>>)
      %dma_wait3A = arith.constant 0 : i32
      %dma_wait3A_22 = arith.constant 0 : i32
      %dma_wait3A_23 = tpu.memref_slice %arg3[%add3A, %dma_wait3A, %dma_wait3A_22] : memref<32x16x128xi32, #tpu.memory_space<hbm>> -> memref<1x16x128xi32, #tpu.memory_space<hbm>>
      %dma_wait3A_24 = tpu.memref_squeeze %dma_wait3A_23 : memref<1x16x128xi32, #tpu.memory_space<hbm>> -> memref<16x128xi32, #tpu.memory_space<hbm>>
      %dma_wait3A_25 = arith.constant 0 : i32
      %dma_wait3A_26 = arith.constant 0 : i32
      %dma_wait3A_27 = tpu.memref_slice %arg3[%add3A, %dma_wait3A_25, %dma_wait3A_26] : memref<32x16x128xi32, #tpu.memory_space<hbm>> -> memref<1x16x128xi32, #tpu.memory_space<hbm>>
      %dma_wait3A_28 = tpu.memref_squeeze %dma_wait3A_27 : memref<1x16x128xi32, #tpu.memory_space<hbm>> -> memref<16x128xi32, #tpu.memory_space<hbm>>
      tpu.wait_dma2 semaphore(%run_scoped3A : memref<!tpu.dma_semaphore, #tpu.memory_space<semaphore_mem>>) src(%dma_wait3A_28 : memref<16x128xi32, #tpu.memory_space<hbm>>) dst(%arg5 : memref<16x128xi32, #tpu.memory_space<vmem>>)
      tpu.yield
    }) : () -> ()
    %dma_start3A = arith.constant 0 : i32
    %dma_start3A_3 = arith.constant 0 : i32
    %dma_start3A_4 = tpu.memref_slice %arg5[%dma_start3A, %dma_start3A_3] : memref<16x128xi32, #tpu.memory_space<vmem>> -> memref<1x128xi32, #tpu.memory_space<vmem>>
    %dma_start3A_5 = tpu.memref_squeeze %dma_start3A_4 : memref<1x128xi32, #tpu.memory_space<vmem>> -> memref<128xi32, #tpu.memory_space<vmem>>
    %dma_start3A_6 = arith.constant 0 : i32
    %dma_start3A_7 = arith.constant 0 : i32
    %dma_start3A_8 = tpu.memref_slice %arg2[%dma_start3A_6, %dma_start3A_7] : memref<8192x256xf32, #tpu.memory_space<hbm>> -> memref<8192x256xf32, #tpu.memory_space<hbm>>
    tpu.enqueue_indirect_dma source(%dma_start3A_8 : memref<8192x256xf32, #tpu.memory_space<hbm>>) target(%arg6 : memref<128x256xf32, #tpu.memory_space<vmem>>) offsets(%dma_start3A_5 : memref<128xi32, #tpu.memory_space<vmem>>) semaphore(%arg8 : memref<!tpu.dma_semaphore, #tpu.memory_space<semaphore_mem>>)
    %scan3A = arith.constant 0 : i32
    %scan3A_9 = arith.constant 0 : i32
    %scan3A_10 = arith.constant 16 : i32
    %scan3A_11 = arith.addi %scan3A_9, %scan3A_10 : i32
    %scan3A_12 = arith.constant 1 : i32
    scf.for %scan3A_14 = %scan3A_9 to %scan3A_11 step %scan3A_12  : i32 {
      %jit3A = arith.constant 2 : i32
      %eq3A = arith.constant 0 : i32
      %eq3A_15 = arith.cmpi eq, %jit3A, %eq3A : i32
      %jit3A_16 = arith.constant 1 : i32
      %select_n3A = arith.select %eq3A_15, %jit3A_16, %jit3A : i32
      %rem3A = arith.remsi %scan3A_14, %select_n3A : i32
      %ne3A = arith.constant 0 : i32
      %ne3A_17 = arith.cmpi ne, %rem3A, %ne3A : i32
      %lt3A = arith.constant 0 : i32
      %lt3A_18 = arith.cmpi slt, %rem3A, %lt3A : i32
      %lt3A_19 = arith.constant 0 : i32
      %lt3A_20 = arith.cmpi slt, %select_n3A, %lt3A_19 : i32
      %ne3A_21 = arith.xori %lt3A_18, %lt3A_20 : i1
      %and3A = arith.andi %ne3A_21, %ne3A_17 : i1
      %add3A_22 = arith.addi %rem3A, %select_n3A : i32
      %select_n3A_23 = arith.select %and3A, %add3A_22, %rem3A : i32
      %eq3A_24 = arith.constant 0 : i32
      %eq3A_25 = arith.cmpi eq, %select_n3A_23, %eq3A_24 : i32
      %add3A_26 = arith.constant 1 : i32
      %add3A_27 = arith.addi %scan3A_14, %add3A_26 : i32
      %lt3A_28 = arith.constant 16 : i32
      %lt3A_29 = arith.cmpi slt, %add3A_27, %lt3A_28 : i32
      %and3A_30 = arith.andi %lt3A_29, %eq3A_25 : i1
      %convert_element_type3A = arith.extui %and3A_30 : i1 to i32
      %cond3A = arith.constant 0 : i32
      %cond3A_31 = arith.cmpi ne, %convert_element_type3A, %cond3A : i32
      scf.if %cond3A_31 {
        %dma_start3A_47 = arith.constant 0 : i32
        %dma_start3A_48 = tpu.memref_slice %arg5[%add3A_27, %dma_start3A_47] : memref<16x128xi32, #tpu.memory_space<vmem>> -> memref<1x128xi32, #tpu.memory_space<vmem>>
        %dma_start3A_49 = tpu.memref_squeeze %dma_start3A_48 : memref<1x128xi32, #tpu.memory_space<vmem>> -> memref<128xi32, #tpu.memory_space<vmem>>
        %dma_start3A_50 = arith.constant 0 : i32
        %dma_start3A_51 = arith.constant 0 : i32
        %dma_start3A_52 = tpu.memref_slice %arg2[%dma_start3A_50, %dma_start3A_51] : memref<8192x256xf32, #tpu.memory_space<hbm>> -> memref<8192x256xf32, #tpu.memory_space<hbm>>
        tpu.enqueue_indirect_dma source(%dma_start3A_52 : memref<8192x256xf32, #tpu.memory_space<hbm>>) target(%arg7 : memref<128x256xf32, #tpu.memory_space<vmem>>) offsets(%dma_start3A_49 : memref<128xi32, #tpu.memory_space<vmem>>) semaphore(%arg9 : memref<!tpu.dma_semaphore, #tpu.memory_space<semaphore_mem>>)
      } else {
      }
      %lt3A_32 = arith.constant 16 : i32
      %lt3A_33 = arith.cmpi slt, %add3A_27, %lt3A_32 : i32
      %not3A = arith.constant true
      %not3A_34 = arith.xori %eq3A_25, %not3A : i1
      %and3A_35 = arith.andi %lt3A_33, %not3A_34 : i1
      %convert_element_type3A_36 = arith.extui %and3A_35 : i1 to i32
      %cond3A_37 = arith.constant 0 : i32
      %cond3A_38 = arith.cmpi ne, %convert_element_type3A_36, %cond3A_37 : i32
      scf.if %cond3A_38 {
        %dma_start3A_47 = arith.constant 0 : i32
        %dma_start3A_48 = tpu.memref_slice %arg5[%add3A_27, %dma_start3A_47] : memref<16x128xi32, #tpu.memory_space<vmem>> -> memref<1x128xi32, #tpu.memory_space<vmem>>
        %dma_start3A_49 = tpu.memref_squeeze %dma_start3A_48 : memref<1x128xi32, #tpu.memory_space<vmem>> -> memref<128xi32, #tpu.memory_space<vmem>>
        %dma_start3A_50 = arith.constant 0 : i32
        %dma_start3A_51 = arith.constant 0 : i32
        %dma_start3A_52 = tpu.memref_slice %arg2[%dma_start3A_50, %dma_start3A_51] : memref<8192x256xf32, #tpu.memory_space<hbm>> -> memref<8192x256xf32, #tpu.memory_space<hbm>>
        tpu.enqueue_indirect_dma source(%dma_start3A_52 : memref<8192x256xf32, #tpu.memory_space<hbm>>) target(%arg6 : memref<128x256xf32, #tpu.memory_space<vmem>>) offsets(%dma_start3A_49 : memref<128xi32, #tpu.memory_space<vmem>>) semaphore(%arg8 : memref<!tpu.dma_semaphore, #tpu.memory_space<semaphore_mem>>)
      } else {
      }
      %convert_element_type3A_39 = arith.extui %eq3A_25 : i1 to i32
      %cond3A_40 = arith.constant 0 : i32
      %cond3A_41 = arith.cmpi ne, %convert_element_type3A_39, %cond3A_40 : i32
      scf.if %cond3A_41 {
        %dma_wait3A = arith.constant 0 : i32
        %dma_wait3A_47 = arith.constant 0 : i32
        %dma_wait3A_48 = tpu.memref_slice %arg5[%dma_wait3A, %dma_wait3A_47] : memref<16x128xi32, #tpu.memory_space<vmem>> -> memref<1x128xi32, #tpu.memory_space<vmem>>
        %dma_wait3A_49 = tpu.memref_squeeze %dma_wait3A_48 : memref<1x128xi32, #tpu.memory_space<vmem>> -> memref<128xi32, #tpu.memory_space<vmem>>
        %dma_wait3A_50 = arith.constant 0 : i32
        %dma_wait3A_51 = arith.constant 0 : i32
        %dma_wait3A_52 = tpu.memref_slice %arg2[%dma_wait3A_50, %dma_wait3A_51] : memref<8192x256xf32, #tpu.memory_space<hbm>> -> memref<8192x256xf32, #tpu.memory_space<hbm>>
        tpu.wait_indirect_dma semaphore(%arg8 : memref<!tpu.dma_semaphore, #tpu.memory_space<semaphore_mem>>) src(%dma_wait3A_52 : memref<8192x256xf32, #tpu.memory_space<hbm>>) dst(%arg6 : memref<128x256xf32, #tpu.memory_space<vmem>>)
        %mul3A_53 = arith.constant 128 : i32
        %mul3A_54 = arith.muli %scan3A_14, %mul3A_53 : i32
        %add3A_55 = arith.addi %mul3A_2, %mul3A_54 : i32
        "tpu.region"() ({
          %run_scoped3A = tpu.sem_alloc : memref<!tpu.dma_semaphore, #tpu.memory_space<semaphore_mem>>
          %dma_start3A_56 = arith.constant 0 : i32
          %dma_start3A_57 = tpu.memref_slice %arg4[%add3A_55, %dma_start3A_56] : memref<65536x256xf32, #tpu.memory_space<hbm>> -> memref<128x256xf32, #tpu.memory_space<hbm>>
          %dma_start3A_58 = arith.constant 0 : i32
          %dma_start3A_59 = tpu.memref_slice %arg4[%add3A_55, %dma_start3A_58] : memref<65536x256xf32, #tpu.memory_space<hbm>> -> memref<128x256xf32, #tpu.memory_space<hbm>>
          tpu.enqueue_dma source(%arg6 : memref<128x256xf32, #tpu.memory_space<vmem>>) target(%dma_start3A_59 : memref<128x256xf32, #tpu.memory_space<hbm>>) target_semaphore(%run_scoped3A : memref<!tpu.dma_semaphore, #tpu.memory_space<semaphore_mem>>)
          %dma_wait3A_60 = arith.constant 0 : i32
          %dma_wait3A_61 = tpu.memref_slice %arg4[%add3A_55, %dma_wait3A_60] : memref<65536x256xf32, #tpu.memory_space<hbm>> -> memref<128x256xf32, #tpu.memory_space<hbm>>
          %dma_wait3A_62 = arith.constant 0 : i32
          %dma_wait3A_63 = tpu.memref_slice %arg4[%add3A_55, %dma_wait3A_62] : memref<65536x256xf32, #tpu.memory_space<hbm>> -> memref<128x256xf32, #tpu.memory_space<hbm>>
          tpu.wait_dma2 semaphore(%run_scoped3A : memref<!tpu.dma_semaphore, #tpu.memory_space<semaphore_mem>>) src(%arg6 : memref<128x256xf32, #tpu.memory_space<vmem>>) dst(%dma_wait3A_63 : memref<128x256xf32, #tpu.memory_space<hbm>>)
          tpu.yield
        }) : () -> ()
      } else {
      }
      %not3A_42 = arith.constant true
      %not3A_43 = arith.xori %eq3A_25, %not3A_42 : i1
      %convert_element_type3A_44 = arith.extui %not3A_43 : i1 to i32
      %cond3A_45 = arith.constant 0 : i32
      %cond3A_46 = arith.cmpi ne, %convert_element_type3A_44, %cond3A_45 : i32
      scf.if %cond3A_46 {
        %dma_wait3A = arith.constant 0 : i32
        %dma_wait3A_47 = arith.constant 0 : i32
        %dma_wait3A_48 = tpu.memref_slice %arg5[%dma_wait3A, %dma_wait3A_47] : memref<16x128xi32, #tpu.memory_space<vmem>> -> memref<1x128xi32, #tpu.memory_space<vmem>>
        %dma_wait3A_49 = tpu.memref_squeeze %dma_wait3A_48 : memref<1x128xi32, #tpu.memory_space<vmem>> -> memref<128xi32, #tpu.memory_space<vmem>>
        %dma_wait3A_50 = arith.constant 0 : i32
        %dma_wait3A_51 = arith.constant 0 : i32
        %dma_wait3A_52 = tpu.memref_slice %arg2[%dma_wait3A_50, %dma_wait3A_51] : memref<8192x256xf32, #tpu.memory_space<hbm>> -> memref<8192x256xf32, #tpu.memory_space<hbm>>
        tpu.wait_indirect_dma semaphore(%arg9 : memref<!tpu.dma_semaphore, #tpu.memory_space<semaphore_mem>>) src(%dma_wait3A_52 : memref<8192x256xf32, #tpu.memory_space<hbm>>) dst(%arg7 : memref<128x256xf32, #tpu.memory_space<vmem>>)
        %mul3A_53 = arith.constant 128 : i32
        %mul3A_54 = arith.muli %scan3A_14, %mul3A_53 : i32
        %add3A_55 = arith.addi %mul3A_2, %mul3A_54 : i32
        "tpu.region"() ({
          %run_scoped3A = tpu.sem_alloc : memref<!tpu.dma_semaphore, #tpu.memory_space<semaphore_mem>>
          %dma_start3A_56 = arith.constant 0 : i32
          %dma_start3A_57 = tpu.memref_slice %arg4[%add3A_55, %dma_start3A_56] : memref<65536x256xf32, #tpu.memory_space<hbm>> -> memref<128x256xf32, #tpu.memory_space<hbm>>
          %dma_start3A_58 = arith.constant 0 : i32
          %dma_start3A_59 = tpu.memref_slice %arg4[%add3A_55, %dma_start3A_58] : memref<65536x256xf32, #tpu.memory_space<hbm>> -> memref<128x256xf32, #tpu.memory_space<hbm>>
          tpu.enqueue_dma source(%arg7 : memref<128x256xf32, #tpu.memory_space<vmem>>) target(%dma_start3A_59 : memref<128x256xf32, #tpu.memory_space<hbm>>) target_semaphore(%run_scoped3A : memref<!tpu.dma_semaphore, #tpu.memory_space<semaphore_mem>>)
          %dma_wait3A_60 = arith.constant 0 : i32
          %dma_wait3A_61 = tpu.memref_slice %arg4[%add3A_55, %dma_wait3A_60] : memref<65536x256xf32, #tpu.memory_space<hbm>> -> memref<128x256xf32, #tpu.memory_space<hbm>>
          %dma_wait3A_62 = arith.constant 0 : i32
          %dma_wait3A_63 = tpu.memref_slice %arg4[%add3A_55, %dma_wait3A_62] : memref<65536x256xf32, #tpu.memory_space<hbm>> -> memref<128x256xf32, #tpu.memory_space<hbm>>
          tpu.wait_dma2 semaphore(%run_scoped3A : memref<!tpu.dma_semaphore, #tpu.memory_space<semaphore_mem>>) src(%arg7 : memref<128x256xf32, #tpu.memory_space<vmem>>) dst(%dma_wait3A_63 : memref<128x256xf32, #tpu.memory_space<hbm>>)
          tpu.yield
        }) : () -> ()
      } else {
      }
    }
    %scan3A_13 = arith.constant 16 : i32
    return
  }
}

module attributes {stable_mosaic.version = 14 : i64} {
  func.func @_argmin_body(%arg0: i32, %arg1: i32, %arg2: memref<2048x256xf32, #tpu.memory_space<vmem>>, %arg3: memref<2048x256xf32, #tpu.memory_space<vmem>>, %arg4: memref<2048x1xi32, #tpu.memory_space<vmem>>, %arg5: memref<2048x1xf32, #tpu.memory_space<vmem>>, %arg6: memref<2048x1xi32, #tpu.memory_space<vmem>>) attributes {dimension_semantics = [#tpu.dimension_semantics<arbitrary>, #tpu.dimension_semantics<arbitrary>], iteration_bounds = array<i64: 32, 4>, scalar_prefetch = 0 : i64, scratch_operands = 2 : i64, tpu.core_type = #tpu.core_type<tc>, window_params = [{transform_indices = @transform_0, window_bounds = array<i64: 2048, 256>}, {transform_indices = @transform_1, window_bounds = array<i64: 2048, 256>}, {transform_indices = @transform_2, window_bounds = array<i64: 2048, 1>}]} {
    %get3A = arith.constant 0 : index
    %get3A_0 = arith.constant 0 : index
    %get3A_1 = vector.load %arg2[%get3A, %get3A_0] : memref<2048x256xf32, #tpu.memory_space<vmem>>, vector<2048x256xf32>
    %get3A_2 = arith.constant 0 : index
    %get3A_3 = arith.constant 0 : index
    %get3A_4 = vector.load %arg3[%get3A_2, %get3A_3] : memref<2048x256xf32, #tpu.memory_space<vmem>>, vector<2048x256xf32>
    %mul3A = arith.mulf %get3A_4, %get3A_4 : vector<2048x256xf32>
    %reduce_sum3A = arith.constant dense<0.000000e+00> : vector<2048xf32>
    %reduce_sum3A_5 = vector.multi_reduction <add>, %mul3A, %reduce_sum3A [1] : vector<2048x256xf32> to vector<2048xf32>
    %broadcast_in_dim3A = vector.shape_cast %reduce_sum3A_5 : vector<2048xf32> to vector<2048x1xf32>
    %mul3A_6 = arith.constant 2.000000e+00 : f32
    %mul3A_7 = vector.broadcast %mul3A_6 : f32 to vector<2048x256xf32>
    %mul3A_8 = arith.mulf %mul3A_7, %get3A_1 : vector<2048x256xf32>
    %convert_element_type3A = arith.truncf %mul3A_8 : vector<2048x256xf32> to vector<2048x256xbf16>
    %convert_element_type3A_9 = arith.truncf %get3A_4 : vector<2048x256xf32> to vector<2048x256xbf16>
    %dot_general3A = arith.constant dense<0.000000e+00> : vector<2048x2048xf32>
    %dot_general3A_10 = tpu.matmul %convert_element_type3A, %convert_element_type3A_9, %dot_general3A {dimension_numbers = #tpu.dot_dimension_numbers<[1], [1], [0], [0], [0, 0, 1, 0], [], []>, transpose_lhs_hint = false} : vector<2048x256xbf16>, vector<2048x256xbf16>, vector<2048x2048xf32> -> vector<2048x2048xf32>
    %transpose3A = tpu.transpose %broadcast_in_dim3A, [1, 0] : vector<2048x1xf32> -> vector<1x2048xf32>
    %sub3A = vector.broadcast %transpose3A : vector<1x2048xf32> to vector<2048x2048xf32>
    %sub3A_11 = arith.subf %sub3A, %dot_general3A_10 : vector<2048x2048xf32>
    %reduce_min3A = arith.constant dense<0x7F800000> : vector<2048xf32>
    %reduce_min3A_12 = vector.multi_reduction <minimumf>, %sub3A_11, %reduce_min3A [1] : vector<2048x2048xf32> to vector<2048xf32>
    %broadcast_in_dim3A_13 = vector.shape_cast %reduce_min3A_12 : vector<2048xf32> to vector<2048x1xf32>
    %iota3A = tpu.iota {dimensions = array<i32: 1>} : vector<2048x2048xi32>
    %eq3A = vector.broadcast %broadcast_in_dim3A_13 : vector<2048x1xf32> to vector<2048x2048xf32>
    %eq3A_14 = arith.cmpf oeq, %sub3A_11, %eq3A : vector<2048x2048xf32>
    %jit3A = arith.constant 8192 : i32
    %broadcast_in_dim3A_15 = vector.broadcast %jit3A : i32 to vector<2048x2048xi32>
    %select_n3A = arith.select %eq3A_14, %iota3A, %broadcast_in_dim3A_15 : vector<2048x2048xi1>, vector<2048x2048xi32>
    %reduce_min3A_16 = arith.constant dense<2147483647> : vector<2048xi32>
    %reduce_min3A_17 = vector.multi_reduction <minsi>, %select_n3A, %reduce_min3A_16 [1] : vector<2048x2048xi32> to vector<2048xi32>
    %broadcast_in_dim3A_18 = vector.shape_cast %reduce_min3A_17 : vector<2048xi32> to vector<2048x1xi32>
    %mul3A_19 = arith.constant 2048 : i32
    %mul3A_20 = arith.muli %arg1, %mul3A_19 : i32
    %add3A = vector.broadcast %mul3A_20 : i32 to vector<2048x1xi32>
    %add3A_21 = arith.addi %broadcast_in_dim3A_18, %add3A : vector<2048x1xi32>
    %eq3A_22 = arith.constant 0 : i32
    %eq3A_23 = arith.cmpi eq, %arg1, %eq3A_22 : i32
    %convert_element_type3A_24 = arith.extui %eq3A_23 : i1 to i32
    %cond3A = arith.constant 0 : i32
    %cond3A_25 = arith.cmpi ne, %convert_element_type3A_24, %cond3A : i32
    scf.if %cond3A_25 {
      %swap3A = arith.constant 0 : index
      %swap3A_35 = arith.constant 0 : index
      %swap3A_36 = vector.load %arg5[%swap3A, %swap3A_35] : memref<2048x1xf32, #tpu.memory_space<vmem>>, vector<2048x1xf32>
      tpu.vector_store %arg5[%swap3A, %swap3A_35], %broadcast_in_dim3A_13 {strides = array<i32>} : memref<2048x1xf32, #tpu.memory_space<vmem>>, vector<2048x1xf32>,
      %swap3A_37 = arith.constant 0 : index
      %swap3A_38 = arith.constant 0 : index
      %swap3A_39 = vector.load %arg6[%swap3A_37, %swap3A_38] : memref<2048x1xi32, #tpu.memory_space<vmem>>, vector<2048x1xi32>
      tpu.vector_store %arg6[%swap3A_37, %swap3A_38], %add3A_21 {strides = array<i32>} : memref<2048x1xi32, #tpu.memory_space<vmem>>, vector<2048x1xi32>,
    } else {
    }
    %gt3A = arith.constant 0 : i32
    %gt3A_26 = arith.cmpi sgt, %arg1, %gt3A : i32
    %convert_element_type3A_27 = arith.extui %gt3A_26 : i1 to i32
    %cond3A_28 = arith.constant 0 : i32
    %cond3A_29 = arith.cmpi ne, %convert_element_type3A_27, %cond3A_28 : i32
    scf.if %cond3A_29 {
      %get3A_35 = arith.constant 0 : index
      %get3A_36 = arith.constant 0 : index
      %get3A_37 = vector.load %arg5[%get3A_35, %get3A_36] : memref<2048x1xf32, #tpu.memory_space<vmem>>, vector<2048x1xf32>
      %lt3A = arith.cmpf olt, %broadcast_in_dim3A_13, %get3A_37 : vector<2048x1xf32>
      %get3A_38 = arith.constant 0 : index
      %get3A_39 = arith.constant 0 : index
      %get3A_40 = vector.load %arg5[%get3A_38, %get3A_39] : memref<2048x1xf32, #tpu.memory_space<vmem>>, vector<2048x1xf32>
      %select_n3A_41 = arith.select %lt3A, %broadcast_in_dim3A_13, %get3A_40 : vector<2048x1xi1>, vector<2048x1xf32>
      %swap3A = arith.constant 0 : index
      %swap3A_42 = arith.constant 0 : index
      %swap3A_43 = vector.load %arg5[%swap3A, %swap3A_42] : memref<2048x1xf32, #tpu.memory_space<vmem>>, vector<2048x1xf32>
      tpu.vector_store %arg5[%swap3A, %swap3A_42], %select_n3A_41 {strides = array<i32>} : memref<2048x1xf32, #tpu.memory_space<vmem>>, vector<2048x1xf32>,
      %get3A_44 = arith.constant 0 : index
      %get3A_45 = arith.constant 0 : index
      %get3A_46 = vector.load %arg6[%get3A_44, %get3A_45] : memref<2048x1xi32, #tpu.memory_space<vmem>>, vector<2048x1xi32>
      %select_n3A_47 = arith.select %lt3A, %add3A_21, %get3A_46 : vector<2048x1xi1>, vector<2048x1xi32>
      %swap3A_48 = arith.constant 0 : index
      %swap3A_49 = arith.constant 0 : index
      %swap3A_50 = vector.load %arg6[%swap3A_48, %swap3A_49] : memref<2048x1xi32, #tpu.memory_space<vmem>>, vector<2048x1xi32>
      tpu.vector_store %arg6[%swap3A_48, %swap3A_49], %select_n3A_47 {strides = array<i32>} : memref<2048x1xi32, #tpu.memory_space<vmem>>, vector<2048x1xi32>,
    } else {
    }
    %eq3A_30 = arith.constant 3 : i32
    %eq3A_31 = arith.cmpi eq, %arg1, %eq3A_30 : i32
    %convert_element_type3A_32 = arith.extui %eq3A_31 : i1 to i32
    %cond3A_33 = arith.constant 0 : i32
    %cond3A_34 = arith.cmpi ne, %convert_element_type3A_32, %cond3A_33 : i32
    scf.if %cond3A_34 {
      %get3A_35 = arith.constant 0 : index
      %get3A_36 = arith.constant 0 : index
      %get3A_37 = vector.load %arg6[%get3A_35, %get3A_36] : memref<2048x1xi32, #tpu.memory_space<vmem>>, vector<2048x1xi32>
      %swap3A = arith.constant 0 : index
      %swap3A_38 = arith.constant 0 : index
      %swap3A_39 = vector.load %arg4[%swap3A, %swap3A_38] : memref<2048x1xi32, #tpu.memory_space<vmem>>, vector<2048x1xi32>
      tpu.vector_store %arg4[%swap3A, %swap3A_38], %get3A_37 {strides = array<i32>} : memref<2048x1xi32, #tpu.memory_space<vmem>>, vector<2048x1xi32>,
    } else {
    }
    return
  }
  func.func @transform_0(%arg0: i32, %arg1: i32) -> (i32, i32) {
    %c0_i32 = arith.constant 0 : i32
    %c0_i32_0 = arith.constant 0 : i32
    return %arg0, %c0_i32 : i32, i32
  }
  func.func @transform_1(%arg0: i32, %arg1: i32) -> (i32, i32) {
    %c0_i32 = arith.constant 0 : i32
    %c0_i32_0 = arith.constant 0 : i32
    return %arg1, %c0_i32 : i32, i32
  }
  func.func @transform_2(%arg0: i32, %arg1: i32) -> (i32, i32) {
    %c0_i32 = arith.constant 0 : i32
    %c0_i32_0 = arith.constant 0 : i32
    return %arg0, %c0_i32 : i32, i32
  }
}

module attributes {stable_mosaic.version = 14 : i64} {
  func.func @_enc_body(%arg0: i32, %arg1: memref<512x128xf32, #tpu.memory_space<vmem>>, %arg2: memref<128x4096xf32, #tpu.memory_space<vmem>>, %arg3: memref<1x4096xf32, #tpu.memory_space<vmem>>, %arg4: memref<512x4096xf32, #tpu.memory_space<vmem>>) attributes {dimension_semantics = [#tpu.dimension_semantics<arbitrary>], iteration_bounds = array<i64: 8>, scalar_prefetch = 0 : i64, scratch_operands = 0 : i64, tpu.core_type = #tpu.core_type<tc>, window_params = [{transform_indices = @transform_0, window_bounds = array<i64: 512, 128>}, {pipeline_mode = #tpu.pipeline_mode<synchronous>, transform_indices = @transform_1, window_bounds = array<i64: 128, 4096>}, {pipeline_mode = #tpu.pipeline_mode<synchronous>, transform_indices = @transform_2, window_bounds = array<i64: 1, 4096>}, {transform_indices = @transform_3, window_bounds = array<i64: 512, 4096>}]} {
    %get3A = arith.constant 0 : index
    %get3A_0 = arith.constant 0 : index
    %get3A_1 = vector.load %arg1[%get3A, %get3A_0] : memref<512x128xf32, #tpu.memory_space<vmem>>, vector<512x128xf32>
    %get3A_2 = arith.constant 0 : index
    %get3A_3 = arith.constant 0 : index
    %get3A_4 = vector.load %arg2[%get3A_2, %get3A_3] : memref<128x4096xf32, #tpu.memory_space<vmem>>, vector<128x4096xf32>
    %dot_general3A = arith.constant dense<0.000000e+00> : vector<512x4096xf32>
    %dot_general3A_5 = tpu.matmul %get3A_1, %get3A_4, %dot_general3A {dimension_numbers = #tpu.dot_dimension_numbers<[1], [0], [0], [1], [0, 0, 1, 1], [], []>, precision = #tpu.contract_precision<fp32>, transpose_lhs_hint = false} : vector<512x128xf32>, vector<128x4096xf32>, vector<512x4096xf32> -> vector<512x4096xf32>
    %get3A_6 = arith.constant 0 : index
    %get3A_7 = arith.constant 0 : index
    %get3A_8 = vector.load %arg3[%get3A_6, %get3A_7] : memref<1x4096xf32, #tpu.memory_space<vmem>>, vector<1x4096xf32>
    %add3A = vector.broadcast %get3A_8 : vector<1x4096xf32> to vector<512x4096xf32>
    %add3A_9 = arith.addf %dot_general3A_5, %add3A : vector<512x4096xf32>
    %swap3A = arith.constant 0 : index
    %swap3A_10 = arith.constant 0 : index
    %swap3A_11 = vector.load %arg4[%swap3A, %swap3A_10] : memref<512x4096xf32, #tpu.memory_space<vmem>>, vector<512x4096xf32>
    tpu.vector_store %arg4[%swap3A, %swap3A_10], %add3A_9 {strides = array<i32>} : memref<512x4096xf32, #tpu.memory_space<vmem>>, vector<512x4096xf32>,
    return
  }
  func.func @transform_0(%arg0: i32) -> (i32, i32) {
    %c0_i32 = arith.constant 0 : i32
    %c0_i32_0 = arith.constant 0 : i32
    return %arg0, %c0_i32 : i32, i32
  }
  func.func @transform_1(%arg0: i32) -> (i32, i32) {
    %c0_i32 = arith.constant 0 : i32
    %c0_i32_0 = arith.constant 0 : i32
    %c0_i32_1 = arith.constant 0 : i32
    return %c0_i32, %c0_i32_0 : i32, i32
  }
  func.func @transform_2(%arg0: i32) -> (i32, i32) {
    %c0_i32 = arith.constant 0 : i32
    %c0_i32_0 = arith.constant 0 : i32
    %c0_i32_1 = arith.constant 0 : i32
    return %c0_i32, %c0_i32_0 : i32, i32
  }
  func.func @transform_3(%arg0: i32) -> (i32, i32) {
    %c0_i32 = arith.constant 0 : i32
    %c0_i32_0 = arith.constant 0 : i32
    return %arg0, %c0_i32 : i32, i32
  }
}

module attributes {stable_mosaic.version = 14 : i64} {
  func.func @_dec_body(%arg0: i32, %arg1: memref<512x4096xf32, #tpu.memory_space<vmem>>, %arg2: memref<4096x128xf32, #tpu.memory_space<vmem>>, %arg3: memref<1x128xf32, #tpu.memory_space<vmem>>, %arg4: memref<512x128xf32, #tpu.memory_space<vmem>>) attributes {dimension_semantics = [#tpu.dimension_semantics<arbitrary>], iteration_bounds = array<i64: 8>, scalar_prefetch = 0 : i64, scratch_operands = 0 : i64, tpu.core_type = #tpu.core_type<tc>, window_params = [{transform_indices = @transform_0, window_bounds = array<i64: 512, 4096>}, {pipeline_mode = #tpu.pipeline_mode<synchronous>, transform_indices = @transform_1, window_bounds = array<i64: 4096, 128>}, {pipeline_mode = #tpu.pipeline_mode<synchronous>, transform_indices = @transform_2, window_bounds = array<i64: 1, 128>}, {transform_indices = @transform_3, window_bounds = array<i64: 512, 128>}]} {
    %get3A = arith.constant 0 : index
    %get3A_0 = arith.constant 0 : index
    %get3A_1 = vector.load %arg1[%get3A, %get3A_0] : memref<512x4096xf32, #tpu.memory_space<vmem>>, vector<512x4096xf32>
    %get3A_2 = arith.constant 0 : index
    %get3A_3 = arith.constant 0 : index
    %get3A_4 = vector.load %arg2[%get3A_2, %get3A_3] : memref<4096x128xf32, #tpu.memory_space<vmem>>, vector<4096x128xf32>
    %dot_general3A = arith.constant dense<0.000000e+00> : vector<512x128xf32>
    %dot_general3A_5 = tpu.matmul %get3A_1, %get3A_4, %dot_general3A {dimension_numbers = #tpu.dot_dimension_numbers<[1], [0], [0], [1], [0, 0, 1, 1], [], []>, precision = #tpu.contract_precision<fp32>, transpose_lhs_hint = false} : vector<512x4096xf32>, vector<4096x128xf32>, vector<512x128xf32> -> vector<512x128xf32>
    %get3A_6 = arith.constant 0 : index
    %get3A_7 = arith.constant 0 : index
    %get3A_8 = vector.load %arg3[%get3A_6, %get3A_7] : memref<1x128xf32, #tpu.memory_space<vmem>>, vector<1x128xf32>
    %add3A = vector.broadcast %get3A_8 : vector<1x128xf32> to vector<512x128xf32>
    %add3A_9 = arith.addf %dot_general3A_5, %add3A : vector<512x128xf32>
    %swap3A = arith.constant 0 : index
    %swap3A_10 = arith.constant 0 : index
    %swap3A_11 = vector.load %arg4[%swap3A, %swap3A_10] : memref<512x128xf32, #tpu.memory_space<vmem>>, vector<512x128xf32>
    tpu.vector_store %arg4[%swap3A, %swap3A_10], %add3A_9 {strides = array<i32>} : memref<512x128xf32, #tpu.memory_space<vmem>>, vector<512x128xf32>,
    return
  }
  func.func @transform_0(%arg0: i32) -> (i32, i32) {
    %c0_i32 = arith.constant 0 : i32
    %c0_i32_0 = arith.constant 0 : i32
    return %arg0, %c0_i32 : i32, i32
  }
  func.func @transform_1(%arg0: i32) -> (i32, i32) {
    %c0_i32 = arith.constant 0 : i32
    %c0_i32_0 = arith.constant 0 : i32
    %c0_i32_1 = arith.constant 0 : i32
    return %c0_i32, %c0_i32_0 : i32, i32
  }
  func.func @transform_2(%arg0: i32) -> (i32, i32) {
    %c0_i32 = arith.constant 0 : i32
    %c0_i32_0 = arith.constant 0 : i32
    %c0_i32_1 = arith.constant 0 : i32
    return %c0_i32, %c0_i32_0 : i32, i32
  }
  func.func @transform_3(%arg0: i32) -> (i32, i32) {
    %c0_i32 = arith.constant 0 : i32
    %c0_i32_0 = arith.constant 0 : i32
    return %arg0, %c0_i32 : i32, i32
  }
}

</mosaic_0001>

<sc_bundles>
// kernel: kernel.6.cloned.1.call-start
scs
__scs_entry_jumppad:
0x0: {  	(pc) =	sbr.rel $0x88, $3  }
0x1: {  	(tag) =	ssettag $0x0;
	lr =	simm.s32 $0x1  }
0x2: {  	[smem:$0x3F9B] =	sst lr;
	_ =	strace $0xD0000000  }
0x3: {  	_ = 	snop  }
0x4: {  	_ = 	snop  }
0x5: {  	_ = 	snop  }
0x6: {  	_ = 	snop  }
0x7: {  	_ = 	snop  }
__scs_overlays_trampoline_lowered:
0x8: {  	[smem:$0x3FAA] =	sst s0  }
0x9: {  	[smem:$0x3FAB] =	sst s1  }
0xa: {  	[smem:$0x3FAC] =	sst s2  }
0xb: {  	[smem:$0x3FAD] =	sst s3  }
0xc: {  	[smem:$0x3FAE] =	sst s4  }
0xd: {  	[smem:$0x3FAF] =	sst s5  }
0xe: {  	[smem:$0x3FB0] =	sst s6  }
0xf: {  	[smem:$0x3FB1] =	sst s7  }
0x10: {  	[smem:$0x3FB2] =	sst s8  }
0x11: {  	[smem:$0x3FB3] =	sst s9;
	s0 =	simm.s32 @!p0 $0x0  }
0x12: {  	s1 =	sld [smem:$0x3F99];
	s0 =	simm.s32 @p0 $0x1  }
0x13: {  	[smem:$0x3FB4] =	sst s0;
	s0 =	simm.s32 @!p1 $0x0  }
0x14: {  	s2 =	sld [smem:$0x3F98];
	s0 =	simm.s32 @p1 $0x1  }
0x15: {  	[smem:$0x3FB5] =	sst s0;
	s0 =	simm.s32 @!p2 $0x0  }
0x16: {  	s3 =	sld [smem:$0x3FDB];
	s0 =	simm.s32 @p2 $0x1  }
0x17: {  	s4 =	simm.s32 $0x1BF5;
	[smem:$0x3FB7] =	sst s0  }
0x18: {  	s0 =	sld [smem:$0x3F9A];
	_ =	swait.ge [sflag:s4], $0x0  }
0x19: {  	s7 =	sld [smem:$0x3F9B]  }
0x1a: {  	s8 =	sadd.s32 $0xFFFFE003, lr  }
0x1b: {  	s9 =	sadd.s32 $0xFFFFFEF7, lr;
	s5 =	simm.s32 $0xFFFFFFFF;
	p2 =	slt.u32 s8, $0xFFFFF086  }
0x1c: {  	p1 =	slt.u32 s9, $0xF7A;
	s5 =	simm.s32 @!p2 $0x0  }
0x1d: {  	s5 =	simm.s32 @p1 $0x1;
	p0 =	seq.s32 s7, s2  }
0x1e: {  	s7 =	smul.u32 @!p0 $0xF7A, s2;
	p2 =	seq.s32 @!p0 s5, $0x0  }
0x1f: {  	s9 =	smul.u32 $0xF7A, s1;
	s8 =	simm.s32 @!p0 $0x1BF5;
	p2 =	por !p2, p0  }
0x20: {  	[sflag:s8] =	ssyncset.s32 @!p0 $0xFFFFF086;
	s6 =	sadd.s32 @!p0 s3, s7;
	s7 =	simm.s32 @!p0 $0x108  }
0x21: {  	s3 =	sadd.s32 s3, s9;
	s6 =	sadd.s32 @!p0 $0x88, s6;
	s7 =	simm.s32 @p2 $0x1082  }
0x22: {  	[simem:s7], [sflag:s8] =	dma.local @!p0 [hbm:s6], $0xF7A  }
0x23: {  	s9 =	sor.u32 $0xD0000000, s2;
	s6 =	simm.s32 $0x108;
	_ =	swait.ge @!p0 [sflag:s8], $0x0  }
0x24: {  	s3 =	sadd.s32 $0x88, s3;
	s6 =	simm.s32 @!p1 $0x1082;
	[sflag:s4] =	ssyncset.s32 $0xFFFFF086  }
0x25: {  	[simem:s6], [sflag:s4] =	dma.local [hbm:s3], $0xF7A  }
0x26: {  	[smem:$0x3F9B] =	sst s1;
	(tag) =	ssettag s2;
	_ =	strace s9  }
0x27: {  	s1 =	sld [smem:$0x3FAB]  }
0x28: {  	s2 =	sld [smem:$0x3FAC]  }
0x29: {  	s4 =	sld [smem:$0x3FAE]  }
0x2a: {  	p0 =	seq.s32 s5, $0x0;
	s5 =	sld [smem:$0x3FAF]  }
0x2b: {  	s6 =	sld [smem:$0x3FB0]  }
0x2c: {  	s7 =	sld [smem:$0x3FB1]  }
0x2d: {  	s3 =	simm.s32 $0x108;
	s8 =	sld [smem:$0x3FB2]  }
0x2e: {  	s3 =	simm.s32 @!p0 $0x1082;
	s9 =	sld [smem:$0x3FB3]  }
0x2f: {  	lr =	sadd.s32 s0, s3;
	s0 =	sld [smem:$0x3FAA]  }
0x30: {  	s3 =	sld [smem:$0x3FAD]  }
0x31: {  	[smem:$0x3FB6] =	sst s10  }
0x32: {  	s10 =	sld [smem:$0x3FB4];
	_ =	sdelay $0x3  }
0x33: {  	p0 =	seq.s32 s10, $0x1;
	s10 =	sld [smem:$0x3FB6];
	_ =	sdelay $0x3  }
0x34: {  	[smem:$0x3FB6] =	sst s10  }
0x35: {  	s10 =	sld [smem:$0x3FB5];
	_ =	sdelay $0x3  }
0x36: {  	p1 =	seq.s32 s10, $0x1;
	s10 =	sld [smem:$0x3FB6];
	_ =	sdelay $0x3  }
0x37: {  	[smem:$0x3FB6] =	sst s10  }
0x38: {  	s10 =	sld [smem:$0x3FB7]  }
0x39: {  	_ = 	snop;
	(pc) =	sbr.ind lr, $3  }
0x3a: {  	_ = 	snop  }
0x3b: {  	_ = 	snop  }
0x3c: {  	p2 =	seq.s32 s10, $0x1;
	s10 =	sld [smem:$0x3FB6]  }
0x3d: {  	_ =	shalt  }
0x3e: {  	_ =	shalt  }
0x3f: {  	_ =	shalt  }
0x40: {  	_ =	shalt  }
0x41: {  	_ =	shalt  }
0x42: {  	_ =	shalt  }
0x43: {  	_ =	shalt  }
0x44: {  	_ =	shalt  }
0x45: {  	_ =	shalt  }
0x46: {  	_ =	shalt  }
0x47: {  	_ =	shalt  }
0x48: {  	_ =	shalt  }
0x49: {  	_ =	shalt  }
0x4a: {  	_ =	shalt  }
0x4b: {  	_ =	shalt  }
0x4c: {  	_ =	shalt  }
0x4d: {  	_ =	shalt  }
0x4e: {  	_ =	shalt  }
0x4f: {  	_ =	shalt  }
0x50: {  	_ =	shalt  }
0x51: {  	_ =	shalt  }
0x52: {  	_ =	shalt  }
0x53: {  	_ =	shalt  }
0x54: {  	_ =	shalt  }
0x55: {  	_ =	shalt  }
0x56: {  	_ =	shalt  }
0x57: {  	_ =	shalt  }
0x58: {  	_ =	shalt  }
0x59: {  	_ =	shalt  }
0x5a: {  	_ =	shalt  }
0x5b: {  	_ =	shalt  }
0x5c: {  	_ =	shalt  }
0x5d: {  	_ =	shalt  }
0x5e: {  	_ =	shalt  }
0x5f: {  	_ =	shalt  }
0x60: {  	_ =	shalt  }
0x61: {  	_ =	shalt  }
0x62: {  	_ =	shalt  }
0x63: {  	_ =	shalt  }
0x64: {  	_ =	shalt  }
0x65: {  	_ =	shalt  }
0x66: {  	_ =	shalt  }
0x67: {  	_ =	shalt  }
0x68: {  	_ =	shalt  }
0x69: {  	_ =	shalt  }
0x6a: {  	_ =	shalt  }
0x6b: {  	_ =	shalt  }
0x6c: {  	_ =	shalt  }
0x6d: {  	_ =	shalt  }
0x6e: {  	_ =	shalt  }
0x6f: {  	_ =	shalt  }
0x70: {  	_ =	shalt  }
0x71: {  	_ =	shalt  }
0x72: {  	_ =	shalt  }
0x73: {  	_ =	shalt  }
0x74: {  	_ =	shalt  }
0x75: {  	_ =	shalt  }
0x76: {  	_ =	shalt  }
0x77: {  	_ =	shalt  }
0x78: {  	_ =	shalt  }
0x79: {  	_ =	shalt  }
0x7a: {  	_ =	shalt  }
0x7b: {  	_ =	shalt  }
0x7c: {  	_ =	shalt  }
0x7d: {  	_ =	shalt  }
0x7e: {  	_ =	shalt  }
0x7f: {  	_ =	shalt  }
0x80: {  	_ =	shalt  }
0x81: {  	_ =	shalt  }
0x82: {  	_ =	shalt  }
0x83: {  	_ =	shalt  }
0x84: {  	_ =	shalt  }
0x85: {  	_ =	shalt  }
0x86: {  	_ =	shalt  }
0x87: {  	_ =	shalt  }
.Lfunc_end0:
.L_simem_size_0:
called_computation.1_lowered:
.L_overlay_start_0:
0x88: {  	s2 =	sld [smem:$0x3FD9]  }
0x89: {  	s3 =	sld [smem:$0x3FFE];
	_ =	sdelay $0x1  }
0x8a: {  	s1 =	srdreg.scid  }
0x8b: {  	s0 =	sand.u32 $0x1, s1  }
0x8c: {  	s14 =	sshll.u32 s0, $0xA;
	s2 =	sadd.s32 s3, s2  }
0x8d: {  	s2 =	sadd.s32 s2, s14  }
0x8e: {  	[smem:$0x3FC2] =	sst s2  }
0x8f: {  	_ = 	snop  }
0x90: {  	s2 =	sld [smem:$0x3FD0];
	_ =	sdelay $0x2  }
0x91: {  	s15 =	simm.s32 $0xB;
	s4 =	simm.s32 $0x10  }
0x92: {  	[smem:s4], [sflag:s15] =	dma.local [hbm:s2], $0x1  }
0x93: {  	_ =	swait.eq [sflag:s15], $0x1  }
0x94: {  	[sflag:s15] =	ssyncset.done $0x0  }
0x95: {  	[sflag:s15] =	ssyncadd.s32 $0xFFFFFFFF  }
0x96: {  	s16 =	sld [smem:$0x12];
	(tm) =	ssettm $0x1  }
0x97: {  	s17 =	sld [smem:$0x3FFB];
	_ =	sdelay $0x3  }
0x98: {  	_ =	strace s17  }
0x99: {  	s3 =	sld [smem:$0x3FFC];
	_ =	sdelay $0x3  }
0x9a: {  	_ =	strace s3  }
0x9b: {  	s3 =	sld [smem:$0x3FFD];
	_ =	sdelay $0x3  }
0x9c: {  	_ =	strace s3  }
0x9d: {  	_ =	strace $0x8FFFFFFF  }
0x9e: {  	s18 =	sld [smem:$0x3FDB];
	_ =	sdelay $0x1  }
0x9f: {  	s19 =	simm.s32 $_scs_section_size  }
0xa0: {  	s5 =	simm.s32 $_size__tile_overlayer_lowered;
	s6 =	simm.s32 $_tile_overlayer_lowered  }
0xa1: {  	s22 =	simm.s32 $0x1BFF;
	s21 =	sshll.u32 s6, $0x1;
	s3 =	sadd.s32 s19, s18  }
0xa2: {  	s7 =	simm.s32 $0x0;
	s20 =	sshll.u32 s5, $0x1;
	s5 =	sadd.s32 s21, s3  }
0xa3: {  	[timem:s7], [sflag:s22] =	dma.local [hbm:s5], s20  }
0xa4: {  	_ =	swait.ge [sflag:s22], s20  }
0xa5: {  	s4 =	ssub.s32 $0x0, s20;
	[sflag:s22] =	ssyncset.done $0x0  }
0xa6: {  	[sflag:s22] =	ssyncadd.s32 s4;
	_ =	sdelay $0x1  }
0xa7: {  	s23 =	simm.s32 $0x1B8B  }
0xa8: {  	_ =	swait.ge [sflag:s23], $0x1  }
0xa9: {  	[sflag:s23] =	ssyncset.done $0x0  }
0xaa: {  	s25 =	simm.s32 $0x1B8E;
	s24 =	sld [smem:$0x3FFE];
	[sflag:s23] =	ssyncadd.s32 $0xFFFFFFFF  }
0xab: {  	s26 =	simm.s32 $execute0_lowered;
	[smem:$0x3FD2] =	sst s25  }
0xac: {  	s5 =	sshll.u32 s26, $0x1;
	_ =	strace $0x80000046;
	[dreg:$0x1] =	wrdreg $0xFFFFFFFF  }
0xad: {  	s28 =	simm.s32 $_size_execute0_lowered;
	s3 =	sadd.s32 s3, s5;
	[dreg:$0x0] =	wrdreg $0x0  }
0xae: {  	s5 =	sshll.u32 s28, $0x1;
	[dreg:$0x2] =	wrdreg s3  }
0xaf: {  	[dreg:$0x3] =	wrdreg s5  }
0xb0: {  	[dreg:$0x4] =	wrdreg $0xC0  }
0xb1: {  	_ =	task [dreg:s7], $0x5FFFF  }
0xb2: {  	[dreg:$0x1] =	wrdreg $0xFFFFFFFF  }
0xb3: {  	[dreg:$0x0] =	wrdreg $0x60  }
0xb4: {  	[dreg:$0x2] =	wrdreg s24  }
0xb5: {  	[dreg:$0x3] =	wrdreg s16  }
0xb6: {  	[dreg:$0x4] =	wrdreg $0xA  }
0xb7: {  	_ =	task.clear_ibuf [dreg:s7], $0x5FFFF;
	_ =	strace $0x90000046  }
0xb8: {  	s29 =	simm.s32 $0xA;
	_ =	strace $0x80000048  }
0xb9: {  	_ =	swait.ge [sflag:s29], $0x1  }
0xba: {  	[sflag:s29] =	ssyncadd.s32 $0xFFFFFFFF  }
0xbb: {  	_ =	strace $0x90000048  }
0xbc: {  	_ =	sfence  }
0xbd: {  	s30 =	sld [smem:$0x0];
	_ =	sdelay $0x2  }
0xbe: {  	s31 =	sshll.u32 s1, $0xD;
	s1 =	sshrl.u32 s1, $0x2  }
0xbf: {  	s3 =	sand.u32 $0x4000, s31;
	s1 =	sadd.s32 s1, s30  }
0xc0: {  	s0 =	sor.u32 s3, s0;
	s1 =	sshll.u32 s1, $0x11  }
0xc1: {  	s0 =	sor.u32 s1, s0  }
0xc2: {  	s0 =	sadd.s32 $0x8F2B, s0  }
0xc3: {  	[sflag:s0] =	ssyncadd.remote.s32 $0x1  }
0xc4: {  	_ =	sfence.sel $0xFFFF  }
0xc5: {  	[dreg:$0x0] =	wrdreg $0xFFFFFFFF;
	(pc) =	sbr.abs _section_cstart, $3  }
0xc6: {  	[dreg:$0x1] =	wrdreg $0xFFFFFFFF  }
0xc7: {  	_ =	task.clear_ibuf [dreg:s7], $0x2FFFF;
	_ =	strace $0x9FFFFFFF  }
0xc8: {  	(tm) =	ssettm $0x7FFFFFFF  }
0xc9: {  	_ =	shalt  }
tec
execute0_lowered:
.L_overlay_start_1:
0x0: {  	(tag) =	ssettag $0x1  }
0x1: {  	s4 =	rddreg [dreg:$0x0]  }
0x2: {  	s5 =	rddreg [dreg:$0x1]  }
0x3: {  	s0 =	rddreg [dreg:$0x2];
	s2 =	simm.s32 $0x0;
	s3 =	srdreg.scid  }
0x4: {  	s1 =	stileid.u32;
	s11 =	simm.s32 $0x8800;
	s12 =	simm.s32 $0x0  }
0x5: {  	[smem:$0x7FF] =	sst s2;
	s7 =	sand.u32 $0x1, s3;
	s3 =	sadd.s32 $0x201600, s4  }
0x6: {  	s6 =	sshll.u32 s1, $0xC;
	s28 =	sadd.s32 $0x241600, s4;
	s31 =	sshll.u32 s1, $0x11  }
0x7: {  	_ =	strace $0x80000047;
	s8 =	sshll.u32 s7, $0xB;
	s9 =	ssub.s32 $0x2, s7  }
0x8: {  	s7 =	sshll.u32 s7, $0x10;
	s6 =	sor.u32 s8, s6;
	s29 =	sshrl.u32 s9, $0x1  }
0x9: {  	s8 =	sadd.s32 s31, s28;
	s10 =	sshrl.u32 s6, $0x3;
	s9 =	ssub.s32 s9, s29  }
0xa: {  	s30 =	sshll.u32 s6, $0x5;
	s7 =	sadd.s32 s7, s8;
	s8 =	simm.s32 $0x3  }
0xb: {  	s4 =	sadd.s32 s5, s10;
	s6 =	sadd.s32 s28, s30;
	s5 =	smax.u32 s9, $0x1  }
0xc: {  	s9 =	simm.s32 $0x800;
	s10 =	simm.s32 $0x2;
	s6 =	sadd.s32 $0xF000, s6  }
.LBB2_1:
0xd: {  	[tilespmem:s2], [sflag:$0x3] =	stream.linear.gather [hbm4b:s4+s2], $0x800, $0x38;
	[tilespmem:$0x10800] =	vst v63  }
0xe: {  	_ =	swait.ge [sflag:s8], $0x800  }
0xf: {  	s14 =	sand.u32 $0x1, s2;
	[sflag:s8] =	ssyncset.done $0x0  }
0x10: {  	s13 =	simm.s32 $0x80;
	p0 =	seq.s32 s14, $0x1;
	[sflag:s8] =	ssyncadd.s32 $0xFFFFF800  }
0x11: {  	[tilespmem:s9], [sflag:$0x1] =	stream.indirect.gather [hbm4b:s3+s13], $0x100, s2, s13, $0xb8;
	[tilespmem:$0x10800] =	vst v63  }
0x12: {  	p1 =	seq.s32 s14, $0x0;
	s15 =	simm.s32 @!p0 $0x80;
	s16 =	simm.s32 @!p0 $0x8800  }
0x13: {  	[tilespmem:s16], [sflag:$0x2] =	stream.indirect.gather @!p0 [hbm4b:s3+s15], $0x100, s13, s15, $0xb8;
	[tilespmem:$0x10800] =	vst v63  }
0x14: {  	p2 =	sne.s32 s14, $0x0;
	s15 =	simm.s32 @!p1 $0x80;
	s16 =	simm.s32 @!p1 $0x800  }
0x15: {  	[tilespmem:s16], [sflag:$0x1] =	stream.indirect.gather @!p1 [hbm4b:s3+s15], $0x100, s13, s15, $0xb8;
	[tilespmem:$0x10800] =	vst v63  }
0x16: {  	s13 =	simm.s32 @!p2 $0x1  }
0x17: {  	_ =	swait.ge @!p2 [sflag:s13], $0x8000  }
0x18: {  	s14 =	simm.s32 @!p2 $0x0;
	[sflag:s13] =	ssyncset.done @!p2 $0x0  }
0x19: {  	s15 =	simm.s32 @!p2 $0x800;
	[sflag:s13] =	ssyncadd.s32 @!p2 $0xFFFF8000;
	s13 =	simm.s32 @!p2 $0x4  }
0x1a: {  	[hbm4b:s7+s14] =	stream.linear.scatter @!p2 [tilespmem:s15], [sflag:$0x4], $0x8000, $0x38;
	[tilespmem:$0x10800] =	vst v63  }
0x1b: {  	_ =	swait.ge @!p2 [sflag:s13], $0x8000  }
0x1c: {  	p0 =	por p0, p0;
	[sflag:s13] =	ssyncset.done @!p2 $0x0  }
0x1d: {  	s14 =	simm.s32 @p0 $0x2;
	[sflag:s13] =	ssyncadd.s32 @!p2 $0xFFFF8000  }
0x1e: {  	s31 =	simm.s32 $0x1;
	s17 =	simm.s32 @p0 $0x3;
	_ =	swait.ge @p0 [sflag:s14], $0x8000  }
0x1f: {  	s16 =	simm.s32 @p0 $0x8800;
	s15 =	simm.s32 @p0 $0x0;
	[sflag:s14] =	ssyncset.done @p0 $0x0  }
0x20: {  	s13 =	sadd.s32 $0x1000, s7;
	[sflag:s14] =	ssyncadd.s32 @p0 $0xFFFF8000;
	s14 =	simm.s32 $0x100  }
0x21: {  	[hbm4b:s7+s15] =	stream.linear.scatter @p0 [tilespmem:s16], [sflag:$0x3], $0x8000, $0x38;
	[tilespmem:$0x10800] =	vst v63  }
0x22: {  	s15 =	simm.s32 $0x2;
	s16 =	sand.u32 $0x1, s31;
	_ =	swait.ge @p0 [sflag:s17], $0x8000  }
.LBB2_2:
0x23: {  	p3 =	seq.s32 s16, $0x1;
	p1 =	seq.s32 s16, $0x0;
	[sflag:s17] =	ssyncset.done @p0 $0x0  }
0x24: {  	s18 =	simm.s32 @!p3 $0x80;
	s19 =	simm.s32 @!p3 $0x8800;
	[sflag:s17] =	ssyncadd.s32 @p0 $0xFFFF8000  }
0x25: {  	[tilespmem:s19], [sflag:$0x2] =	stream.indirect.gather @!p3 [hbm4b:s3+s18], $0x100, s14, s18, $0xb8;
	[tilespmem:$0x10800] =	vst v63  }
0x26: {  	p2 =	sne.s32 s16, $0x0;
	s17 =	simm.s32 @!p1 $0x80;
	s18 =	simm.s32 @!p1 $0x800  }
0x27: {  	[tilespmem:s18], [sflag:$0x1] =	stream.indirect.gather @!p1 [hbm4b:s3+s17], $0x100, s14, s17, $0xb8;
	[tilespmem:$0x10800] =	vst v63  }
0x28: {  	s16 =	simm.s32 @!p2 $0x1;
	s18 =	smov.u32 s15;
	s15 =	sadd.s32 $0x1, s15  }
0x29: {  	p0 =	por p3, p3;
	p1 =	sne.s32 s15, $0xF;
	_ =	swait.ge @!p2 [sflag:s16], $0x8000  }
0x2a: {  	s19 =	simm.s32 @!p2 $0x800;
	s17 =	simm.s32 @!p2 $0x0;
	[sflag:s16] =	ssyncset.done @!p2 $0x0  }
0x2b: {  	[sflag:s16] =	ssyncadd.s32 @!p2 $0xFFFF8000;
	s16 =	simm.s32 @!p2 $0x4  }
0x2c: {  	[hbm4b:s13+s17] =	stream.linear.scatter @!p2 [tilespmem:s19], [sflag:$0x4], $0x8000, $0x38;
	[tilespmem:$0x10800] =	vst v63  }
0x2d: {  	_ =	swait.ge @!p2 [sflag:s16], $0x8000  }
0x2e: {  	s17 =	simm.s32 @p0 $0x2;
	[sflag:s16] =	ssyncset.done @!p2 $0x0  }
0x2f: {  	[sflag:s16] =	ssyncadd.s32 @!p2 $0xFFFF8000  }
.Ltmp0:
0x30: {  	_ =	swait.ge @p0 [sflag:s17], $0x8000;
	(pc) =	sbr.rel @p1 .LBB2_2-.Ltmp0, $4  }
0x31: {  	s19 =	simm.s32 @p0 $0x8800;
	s16 =	simm.s32 @p0 $0x0;
	[sflag:s17] =	ssyncset.done @p0 $0x0  }
0x32: {  	s14 =	sadd.s32 $0x80, s14;
	[sflag:s17] =	ssyncadd.s32 @p0 $0xFFFF8000;
	s17 =	simm.s32 @p0 $0x3  }
0x33: {  	[hbm4b:s13+s16] =	stream.linear.scatter @p0 [tilespmem:s19], [sflag:$0x3], $0x8000, $0x38;
	[tilespmem:$0x10800] =	vst v63  }
0x34: {  	s16 =	sand.u32 $0x1, s18;
	s13 =	sadd.s32 $0x1000, s13;
	_ =	swait.ge @p0 [sflag:s17], $0x8000  }
0x35: {  	p1 =	seq.s32 s16, $0x1;
	p2 =	seq.s32 s16, $0x0;
	[sflag:s17] =	ssyncset.done @p0 $0x0  }
0x36: {  	s15 =	simm.s32 @!p1 $0x80;
	s18 =	simm.s32 @!p1 $0x8800;
	[sflag:s17] =	ssyncadd.s32 @p0 $0xFFFF8000  }
0x37: {  	[tilespmem:s18], [sflag:$0x2] =	stream.indirect.gather @!p1 [hbm4b:s3+s15], $0x100, s14, s15, $0xb8;
	[tilespmem:$0x10800] =	vst v63  }
0x38: {  	s17 =	simm.s32 @!p2 $0x800;
	p0 =	sne.s32 s16, $0x0;
	s15 =	simm.s32 @!p2 $0x80  }
0x39: {  	[tilespmem:s17], [sflag:$0x1] =	stream.indirect.gather @!p2 [hbm4b:s3+s15], $0x100, s14, s15, $0xb8;
	[tilespmem:$0x10800] =	vst v63  }
0x3a: {  	s14 =	simm.s32 @!p0 $0x1  }
0x3b: {  	_ =	swait.ge @!p0 [sflag:s14], $0x8000  }
0x3c: {  	s16 =	simm.s32 @!p0 $0x800;
	[sflag:s14] =	ssyncset.done @!p0 $0x0  }
0x3d: {  	s15 =	simm.s32 @!p0 $0x0;
	[sflag:s14] =	ssyncadd.s32 @!p0 $0xFFFF8000;
	s14 =	simm.s32 @!p0 $0x4  }
0x3e: {  	[hbm4b:s13+s15] =	stream.linear.scatter @!p0 [tilespmem:s16], [sflag:$0x4], $0x8000, $0x38;
	[tilespmem:$0x10800] =	vst v63  }
0x3f: {  	_ =	swait.ge @!p0 [sflag:s14], $0x8000  }
0x40: {  	p1 =	por p1, p1;
	[sflag:s14] =	ssyncset.done @!p0 $0x0  }
0x41: {  	s15 =	simm.s32 @p1 $0x2;
	[sflag:s14] =	ssyncadd.s32 @!p0 $0xFFFF8000  }
0x42: {  	_ =	swait.ge @p1 [sflag:s15], $0x8000  }
0x43: {  	s16 =	simm.s32 @p1 $0x8800;
	[sflag:s15] =	ssyncset.done @p1 $0x0  }
0x44: {  	s14 =	simm.s32 @p1 $0x0;
	[sflag:s15] =	ssyncadd.s32 @p1 $0xFFFF8000;
	s15 =	simm.s32 @p1 $0x3  }
0x45: {  	[hbm4b:s13+s14] =	stream.linear.scatter @p1 [tilespmem:s16], [sflag:$0x3], $0x8000, $0x38;
	[tilespmem:$0x10800] =	vst v63  }
0x46: {  	_ =	swait.ge @p1 [sflag:s15], $0x8000  }
0x47: {  	[sflag:s15] =	ssyncset.done @p1 $0x0  }
0x48: {  	[sflag:s15] =	ssyncadd.s32 @p1 $0xFFFF8000  }
0x49: {  	s12 =	sadd.s32 $0x1, s12;
	_ =	swait.ge [sflag:s10], $0x8000  }
0x4a: {  	p0 =	sne.s32 s12, s5;
	[sflag:s10] =	ssyncset.done $0x0  }
.Ltmp1:
0x4b: {  	[sflag:s10] =	ssyncadd.s32 $0xFFFF8000;
	(pc) =	sbr.rel @p0 .LBB2_1-.Ltmp1, $4  }
0x4c: {  	[hbm4b:s6+s2] =	stream.linear.scatter [tilespmem:s11], [sflag:$0x3], $0x8000, $0x38;
	[tilespmem:$0x10800] =	vst v63  }
0x4d: {  	_ =	swait.ge [sflag:s8], $0x8000  }
0x4e: {  	[sflag:s8] =	ssyncset.done $0x0  }
0x4f: {  	[sflag:s8] =	ssyncadd.s32 $0xFFFF8000  }
0x50: {  	_ =	sfence.sel $0x180000  }
0x51: {  	[bflag:$0x0] =	sbarrier.arrive $0xFFFF  }
0x52: {  	p0 =	sne.s32 s1, $0x0;
	_ =	strace $0x90000047  }
0x53: {  	s0 =	sadd.s32 @!p0 $0x100000, s0;
	[bflag:$0x2] =	sbarrier.arrive $0xFFFF  }
0x54: {  	[sflag:s0] =	ssyncadd.tile.s32 @!p0 $0x1;
	_ =	shalt  }
.Lfunc_end2:
_tile_overlayer_lowered:
.L_overlay_start_2:
0x55: {  	(tag) =	ssettag $0x2  }
0x56: {  	s0 =	rddreg [dreg:$0x0];
	s2 =	stileid.u32  }
0x57: {  	s1 =	rddreg [dreg:$0x1];
	p0 =	sne.s32 s2, $0x0  }
0x58: {  	s3 =	rddreg [dreg:$0x2];
	[bflag:$0x3] =	sbarrier.arrive $0xFFFF;
	s2 =	simm.s32 @!p0 $0x1C03  }
0x59: {  	[timem:s3], [sflag:s2] =	dma.local @!p0 [hbm:s0], s1  }
0x5a: {  	s0 =	simm.s32 @!p0 $0x3  }
0x5b: {  	_ =	swait.ge @!p0 [sflag:s0], s1  }
0x5c: {  	s1 =	ssub.s32 @!p0 $0x0, s1;
	[sflag:s0] =	ssyncset.done @!p0 $0x0  }
0x5d: {  	[sflag:s0] =	ssyncadd.s32 @!p0 s1  }
0x5e: {  	[bflag:$0x3] =	sbarrier.arrive $0xFFFF  }
0x5f: {  	_ =	shalt  }

// kernel: sparse-core-data-format-call.cloned.1.call-start
scs
called_computation_lowered:
.L_overlay_start_0:
0x0: {  	s2 =	sld [smem:$0x3FD9]  }
0x1: {  	s3 =	sld [smem:$0x3FFE];
	_ =	sdelay $0x1  }
0x2: {  	s1 =	srdreg.scid  }
0x3: {  	s0 =	sand.u32 $0x1, s1  }
0x4: {  	s16 =	sshll.u32 s0, $0xA;
	s2 =	sadd.s32 s3, s2  }
0x5: {  	s2 =	sadd.s32 s2, s16  }
0x6: {  	[smem:$0x3FC2] =	sst s2  }
0x7: {  	_ = 	snop  }
0x8: {  	s2 =	sld [smem:$0x3FD0];
	_ =	sdelay $0x2  }
0x9: {  	s17 =	simm.s32 $0xB;
	s4 =	simm.s32 $0x10  }
0xa: {  	[smem:s4], [sflag:s17] =	dma.local [hbm:s2], $0x1  }
0xb: {  	_ =	swait.eq [sflag:s17], $0x1  }
0xc: {  	[sflag:s17] =	ssyncset.done $0x0  }
0xd: {  	[sflag:s17] =	ssyncadd.s32 $0xFFFFFFFF  }
0xe: {  	s18 =	sld [smem:$0x10];
	(tm) =	ssettm $0x1  }
0xf: {  	s19 =	sld [smem:$0x3FFB];
	_ =	sdelay $0x3  }
0x10: {  	_ =	strace s19  }
0x11: {  	s2 =	sld [smem:$0x3FFC];
	_ =	sdelay $0x3  }
0x12: {  	_ =	strace s2  }
0x13: {  	s2 =	sld [smem:$0x3FFD];
	_ =	sdelay $0x3  }
0x14: {  	_ =	strace s2  }
0x15: {  	_ =	strace $0x8FFFFFFF  }
0x16: {  	s20 =	sld [smem:$0x3FDB];
	_ =	sdelay $0x1  }
0x17: {  	s21 =	simm.s32 $_scs_section_size  }
0x18: {  	s5 =	simm.s32 $_size__tile_overlayer_lowered;
	s6 =	simm.s32 $_tile_overlayer_lowered  }
0x19: {  	s7 =	simm.s32 $0x1BFF;
	s22 =	sshll.u32 s6, $0x1;
	s4 =	sadd.s32 s21, s20  }
0x1a: {  	s23 =	simm.s32 $0x0;
	s5 =	sshll.u32 s5, $0x1;
	s6 =	sadd.s32 s22, s4  }
0x1b: {  	[timem:s23], [sflag:s7] =	dma.local [hbm:s6], s5  }
0x1c: {  	_ =	swait.ge [sflag:s7], s5  }
0x1d: {  	s5 =	ssub.s32 $0x0, s5;
	[sflag:s7] =	ssyncset.done $0x0  }
0x1e: {  	[sflag:s7] =	ssyncadd.s32 s5;
	_ =	sdelay $0x1  }
0x1f: {  	s24 =	simm.s32 $0x1B8B  }
0x20: {  	_ =	swait.ge [sflag:s24], $0x1  }
0x21: {  	[sflag:s24] =	ssyncset.done $0x0  }
0x22: {  	[sflag:s24] =	ssyncadd.s32 $0xFFFFFFFF  }
0x23: {  	s5 =	sld [smem:$0x0]  }
0x24: {  	s6 =	sand.u32 $0xFFFFFFFE, s1  }
0x25: {  	p0 =	sne.s32 s1, s6  }
0x26: {  	s6 =	sshll.u32 @p0 s6, $0xE  }
0x27: {  	s6 =	sadd.s32 @p0 $0x11B8D, s6;
	s7 =	sshll.u32 @p0 s5, $0x11  }
0x28: {  	s6 =	sor.u32 @p0 s7, s6  }
0x29: {  	[sflag:s6] =	ssyncadd.remote.s32 @p0 $0x1;
	_ =	sdelay $0x1  }
0x2a: {  	s6 =	simm.s32 @p0 $0x1B8D  }
0x2b: {  	_ =	swait.eq @p0 [sflag:s6], $0x1  }
0x2c: {  	[sflag:s6] =	ssyncadd.s32 @p0 $0xFFFFFFFF  }
0x2d: {  	s7 =	sshll.u32 @!p0 s1, $0xE  }
0x2e: {  	s7 =	sor.u32 @!p0 $0x4000, s7;
	s6 =	simm.s32 @!p0 $0x1B8D  }
0x2f: {  	s5 =	sshll.u32 @!p0 s5, $0x11;
	s7 =	sadd.s32 @!p0 $0x11B8D, s7;
	_ =	swait.eq @!p0 [sflag:s6], $0x1  }
0x30: {  	s5 =	sor.u32 @!p0 s5, s7;
	[sflag:s6] =	ssyncadd.s32 @!p0 $0xFFFFFFFF  }
0x31: {  	s26 =	simm.s32 $0x1B8E;
	s25 =	sld [smem:$0x3FFE];
	[sflag:s5] =	ssyncadd.remote.s32 @!p0 $0x1  }
0x32: {  	s27 =	simm.s32 $execute0_lowered;
	[smem:$0x3FD2] =	sst s26  }
0x33: {  	s6 =	sshll.u32 s27, $0x1;
	_ =	strace $0x80000049;
	[dreg:$0x1] =	wrdreg $0xFFFFFFFF  }
0x34: {  	s28 =	simm.s32 $_size_execute0_lowered;
	s4 =	sadd.s32 s4, s6;
	[dreg:$0x0] =	wrdreg $0x0  }
0x35: {  	s6 =	sshll.u32 s28, $0x1;
	[dreg:$0x2] =	wrdreg s4  }
0x36: {  	[dreg:$0x3] =	wrdreg s6  }
0x37: {  	[dreg:$0x4] =	wrdreg $0xC0  }
0x38: {  	_ =	task [dreg:s23], $0x5FFFF  }
0x39: {  	[dreg:$0x1] =	wrdreg $0xFFFFFFFF  }
0x3a: {  	[dreg:$0x0] =	wrdreg $0x60  }
0x3b: {  	[dreg:$0x2] =	wrdreg s25  }
0x3c: {  	[dreg:$0x3] =	wrdreg s18  }
0x3d: {  	[dreg:$0x4] =	wrdreg $0x9  }
0x3e: {  	_ =	task.clear_ibuf [dreg:s23], $0x5FFFF;
	_ =	strace $0x90000049  }
0x3f: {  	s29 =	simm.s32 $0x9;
	_ =	strace $0x8000004B  }
0x40: {  	_ =	swait.ge [sflag:s29], $0x1  }
0x41: {  	[sflag:s29] =	ssyncadd.s32 $0xFFFFFFFF  }
0x42: {  	_ =	strace $0x9000004B  }
0x43: {  	_ =	sfence  }
0x44: {  	s30 =	sld [smem:$0x0];
	_ =	sdelay $0x2  }
0x45: {  	s31 =	sshll.u32 s1, $0xD;
	s1 =	sshrl.u32 s1, $0x2  }
0x46: {  	s4 =	sand.u32 $0x4000, s31;
	s1 =	sadd.s32 s1, s30  }
0x47: {  	s0 =	sor.u32 s4, s0;
	s1 =	sshll.u32 s1, $0x11  }
0x48: {  	s0 =	sor.u32 s1, s0  }
0x49: {  	s0 =	sadd.s32 $0x8F2B, s0  }
0x4a: {  	[sflag:s0] =	ssyncadd.remote.s32 $0x1  }
0x4b: {  	_ =	sfence.sel $0xFFFF  }
0x4c: {  	[dreg:$0x0] =	wrdreg $0xFFFFFFFF;
	(pc) =	sbr.abs _section_cstart, $3  }
0x4d: {  	[dreg:$0x1] =	wrdreg $0xFFFFFFFF  }
0x4e: {  	_ =	task.clear_ibuf [dreg:s23], $0x2FFFF;
	_ =	strace $0x9FFFFFFF  }
0x4f: {  	(tm) =	ssettm $0x7FFFFFFF  }
tec
execute0_lowered:
.L_overlay_start_1:
0x0: {  	(tag) =	ssettag $0x1  }
0x1: {  	s1 =	rddreg [dreg:$0x0]  }
0x2: {  	s2 =	rddreg [dreg:$0x1]  }
0x3: {  	s0 =	rddreg [dreg:$0x2]  }
0x4: {  	_ =	strace $0x8000004A;
	s4 =	srdreg.scid;
	s6 =	simm.s32 $0x2  }
0x5: {  	s11 =	simm.s32 $0x0;
	p0 =	por $0x0, $0x0;
	s7 =	simm.s32 $0x1000  }
.Ltmp0:
0x6: {  	s12 =	simm.s32 $0x0;
	s9 =	simm.s32 $0x0;
	(pc) =	sbr.rel .LBB1_1-.Ltmp0, $4  }
0x7: {  	s8 =	simm.s32 $0x0;
	s3 =	sadd.s32 $0x1600, s1;
	s5 =	sshll.u32 s4, $0x4  }
0x8: {  	s1 =	stileid.u32;
	s4 =	simm.s32 $0x1;
	s5 =	sand.u32 $0x10, s5  }
0x9: {  	s18 =	simm.s32 $0x0;
	[sflag:s4] =	ssyncpa.u1 $0x0;
	s5 =	sor.u32 s1, s5  }
0xa: {  	[sflag:s6] =	ssyncpa.u1 $0x0;
	s6 =	simm.s32 $0x800;
	s10 =	smov.u32 s5  }
.LBB1_7:
0xb: {  	s13 =	sadd.s32 $0x8, s9  }
0xc: {  	s11 =	sadd.s32 $0x20, s10;
	s15 =	smov.u32 s10;
	p2 =	sgt.s32 s13, $0xF  }
0xd: {  	p1 =	slt.u32 s8, $0x2;
	s15 =	smov.u32 @p2 s11  }
0xe: {  	s8 =	sadd.s32 $0x1, s8;
	s13 =	simm.s32 @p2 $0x0;
	p2 =	sgt.s32 s15, $0x1FF  }
0xf: {  	s15 =	smov.u32 @p2 s5;
	p2 =	sne.s32 s8, $0x22  }
.Ltmp1:
0x10: {  	_ = 	snop;
	(pc) =	sbr.rel @!p2 .LBB1_8-.Ltmp1, $4  }
0x11: {  	s14 =	simm.s32 @!p1 $0x2  }
0x12: {  	s12 =	smov.u32 s10;
	_ =	swait.ge @!p1 [sflag:s14], $0x4000  }
0x13: {  	p0 =	por !p0, !p0;
	s11 =	smov.u32 s9;
	[sflag:s14] =	ssyncset.done @!p1 $0x0  }
0x14: {  	s9 =	smov.u32 s13;
	[sflag:s14] =	ssyncadd.s32 @!p1 $0xFFFFC000;
	s10 =	smov.u32 s15  }
.LBB1_1:
0x15: {  	p1 =	sgt.u32 s8, $0x1F  }
0x16: {  	s13 =	sxor.u32 @!p1 $0xFFFFFFFF, s8;
	s14 =	sshll.u32 @!p1 s10, $0xC  }
0x17: {  	s15 =	sshll.u32 @!p1 s9, $0x8;
	s13 =	sshll.u32 @!p1 s13, $0xE;
	s14 =	sadd.s32 @!p1 s3, s14  }
0x18: {  	s13 =	sand.u32 @!p1 $0x4000, s13;
	s14 =	sadd.s32 @!p1 s15, s14;
	s15 =	simm.s32 @!p1 $0x0  }
0x19: {  	[tilespmem:s13], [sflag:$0x1] =	stream.linear.gather @!p1 [hbm4b:s14+s15], $0x4000, $0x38;
	[tilespmem:$0x10000] =	vst v63  }
0x1a: {  	p1 =	seq.s32 s8, $0x0  }
0x1b: {  	p2 =	seq.s32 @!p1 s8, $0x21  }
0x1c: {  	p1 =	por p1, p2  }
.Ltmp2:
0x1d: {  	_ = 	snop;
	(pc) =	sbr.rel @p1 .LBB1_7-.Ltmp2, $1  }
0x1e: {  	_ =	sdelay $0x3  }
0x1f: {  	s13 =	simm.s32 $0x1  }
0x20: {  	_ =	swait.ge [sflag:s4], $0x4000;
	s31 =	sshll.u32 s8, $0xE;
	p1 =	por $0x0, $0x0  }
0x21: {  	s19 =	simm.s32 $0x0;
	s20 =	simm.s32 $0x0;
	s13 =	simm.s32 @!p0 $0x0  }
0x22: {  	[sflag:s4] =	ssyncset.done $0x0;
	s16 =	sand.u32 $0x4000, s31;
	s13 =	sshll.u32 s13, $0x10  }
0x23: {  	[sflag:s4] =	ssyncadd.s32 $0xFFFFC000;
	s17 =	sshrl.u32 s13, $0x2;
	s13 =	sor.u32 $0x8000, s16  }
0x24: {  	s14 =	sor.u32 $0x40, s17;
	s15 =	sor.u32 $0x8410, s17;
	s17 =	sadd.s32 $0x8400, s17  }
.LBB1_3:
0x25: {  	v1 =	vld [tilespmem:s14+$0xFFFFFFD0]  }
0x26: {  	v2 =	vld [tilespmem:s14+$0x430]  }
0x27: {  	s21 =	sshll.u32 s20, $0xB;
	v4 =	vld [tilespmem:s14+$0xFFFFFFE0]  }
0x28: {  	v7 =	vld [tilespmem:s14+$0xFFFFFFF0];
	v0 =	vmov s21  }
0x29: {  	v8 =	vld [tilespmem:s14+$0x0]  }
0x2a: {  	s30 =	sand.u32 $0x300, s18;
	v9 =	vld [tilespmem:s14+$0x10]  }
0x2b: {  	s22 =	sand.u32 $0x80, s18;
	v10 =	vld [tilespmem:s14+$0x20];
	s21 =	sadd.s32 s30, s16  }
0x2c: {  	v11 =	vld [tilespmem:s14+$0x30];
	s21 =	sadd.s32 s22, s21;
	s22 =	simm.s32 $0x1;
	[tilespmem:s15+$0x60] =	vst v2  }
0x2d: {  	s31 =	sshll.u32 s19, $0x2;
	s22 =	simm.s32 @!p1 $0x0;
	[tilespmem:s15+$0xFFFFFC00] =	vst v1;
	v3 =	vld.idx.msk [tilespmem:v0+s21+$0x400 ss:$0x1], $0xffff  }
0x2e: {  	v6 =	vld [tilespmem:s14+$0x3D0];
	s22 =	sshll.u32 s22, $0x9;
	[tilespmem:s15+$0xFFFFFC10] =	vst v4;
	s21 =	sand.u32 $0xFFFFFC00, s31  }
0x2f: {  	v5 =	vld [tilespmem:s14+$0x3E0];
	[tilespmem:s15+$0xFFFFFC20] =	vst v7;
	s21 =	sor.u32 s22, s21  }
0x30: {  	[tilespmem:s15+$0xFFFFFC30] =	vst v8;
	v4 =	vld [tilespmem:s14+$0x400];
	s21 =	sshrl.u32 s21, $0x2  }
0x31: {  	[tilespmem:s15+$0xFFFFFC40] =	vst v9;
	v1 =	vld [tilespmem:s14+$0x410];
	s21 =	sadd.s32 s21, s17  }
0x32: {  	[tilespmem:s21+$0x0] =	vst v3;
	v3 =	vld [tilespmem:s14+$0x3F0]  }
0x33: {  	s25 =	simm.s32 $0x80;
	s24 =	simm.s32 $0x100;
	[tilespmem:s15+$0xFFFFFC50] =	vst v10;
	v2 =	vld [tilespmem:s14+$0x420]  }
0x34: {  	s23 =	smov.u32 s15;
	s26 =	sand.u32 $0x300, s25;
	v7 =	vld [tilespmem:s14+$0xFFFFFFC0];
	[tilespmem:s15+$0xFFFFFC60] =	vst v11;
	s22 =	sadd.s32 $0x80, s14  }
.LBB1_4:
0x35: {  	p2 =	sne.s32 s24, $0x380;
	v8 =	vld [tilespmem:s22+$0xFFFFFFD0];
	s25 =	sand.u32 $0x80, s25;
	s26 =	sadd.s32 s26, s16;
	[tilespmem:s23+$0x0] =	vst v6  }
0x36: {  	s26 =	sadd.s32 s25, s26;
	v6 =	vld [tilespmem:s22+$0x430];
	[tilespmem:s23+$0x10] =	vst v5;
	s25 =	smov.u32 s24  }
0x37: {  	v5 =	vld.idx.msk [tilespmem:v0+s26+$0x400 ss:$0x1], $0xffff;
	[tilespmem:s23+$0x20] =	vst v3  }
0x38: {  	v3 =	vld [tilespmem:s22+$0xFFFFFFE0];
	[tilespmem:s23+$0x30] =	vst v4  }
0x39: {  	v4 =	vld [tilespmem:s22+$0xFFFFFFF0];
	[tilespmem:s23+$0xFFFFFBF0] =	vst v7  }
0x3a: {  	v7 =	vld [tilespmem:s22+$0x0];
	[tilespmem:s23+$0x40] =	vst v1  }
0x3b: {  	v1 =	vld [tilespmem:s22+$0x10];
	[tilespmem:s23+$0x50] =	vst v2;
	s23 =	sadd.s32 $0x800, s23  }
0x3c: {  	s21 =	sadd.s32 $0x800, s21;
	v2 =	vld [tilespmem:s22+$0x20];
	[tilespmem:s23+$0x60] =	vst v6  }
0x3d: {  	v9 =	vld [tilespmem:s22+$0x30];
	[tilespmem:s21+$0x0] =	vst v5  }
0x3e: {  	[tilespmem:s23+$0xFFFFFC00] =	vst v8;
	v6 =	vld [tilespmem:s22+$0x3D0]  }
0x3f: {  	[tilespmem:s23+$0xFFFFFC10] =	vst v3;
	v5 =	vld [tilespmem:s22+$0x3E0]  }
.Ltmp3:
0x40: {  	[tilespmem:s23+$0xFFFFFC20] =	vst v4;
	v3 =	vld [tilespmem:s22+$0x3F0];
	(pc) =	sbr.rel @p2 .LBB1_4-.Ltmp3, $4  }
0x41: {  	[tilespmem:s23+$0xFFFFFC30] =	vst v7;
	v4 =	vld [tilespmem:s22+$0x400]  }
0x42: {  	[tilespmem:s23+$0xFFFFFC40] =	vst v1;
	v1 =	vld [tilespmem:s22+$0x410]  }
0x43: {  	[tilespmem:s23+$0xFFFFFC50] =	vst v2;
	v2 =	vld [tilespmem:s22+$0x420]  }
0x44: {  	s24 =	sadd.s32 $0x80, s24;
	s26 =	sand.u32 $0x300, s25;
	v7 =	vld [tilespmem:s22+$0xFFFFFFC0];
	[tilespmem:s23+$0xFFFFFC60] =	vst v9;
	s22 =	sadd.s32 $0x80, s22  }
0x45: {  	[tilespmem:s23+$0x0] =	vst v6  }
0x46: {  	[tilespmem:s23+$0x10] =	vst v5  }
0x47: {  	v49 =	vld [tilespmem:s22+$0x430];
	[tilespmem:s23+$0x20] =	vst v3  }
0x48: {  	v50 =	vld [tilespmem:s22+$0xFFFFFFD0];
	[tilespmem:s23+$0x30] =	vst v4  }
0x49: {  	v51 =	vld [tilespmem:s22+$0xFFFFFFE0];
	[tilespmem:s23+$0x40] =	vst v1  }
0x4a: {  	v52 =	vld [tilespmem:s22+$0xFFFFFFF0];
	[tilespmem:s23+$0x50] =	vst v2  }
0x4b: {  	s31 =	sadd.s32 $0x800, s23;
	v53 =	vld [tilespmem:s22+$0x0];
	[tilespmem:s23+$0xFFFFFBF0] =	vst v7  }
0x4c: {  	v54 =	vld [tilespmem:s22+$0x10];
	[tilespmem:s31+$0x60] =	vst v49  }
0x4d: {  	v55 =	vld [tilespmem:s22+$0x20];
	[tilespmem:s31+$0xFFFFFC00] =	vst v50  }
0x4e: {  	v56 =	vld [tilespmem:s22+$0x30];
	[tilespmem:s31+$0xFFFFFC10] =	vst v51  }
0x4f: {  	v57 =	vld [tilespmem:s22+$0x3D0];
	[tilespmem:s31+$0xFFFFFC20] =	vst v52  }
0x50: {  	v58 =	vld [tilespmem:s22+$0x3E0];
	[tilespmem:s31+$0xFFFFFC30] =	vst v53  }
0x51: {  	v59 =	vld [tilespmem:s22+$0x3F0];
	[tilespmem:s31+$0xFFFFFC40] =	vst v54  }
0x52: {  	v60 =	vld [tilespmem:s22+$0x400];
	[tilespmem:s31+$0xFFFFFC50] =	vst v55  }
0x53: {  	v61 =	vld [tilespmem:s22+$0xFFFFFFC0];
	[tilespmem:s31+$0xFFFFFC60] =	vst v56  }
0x54: {  	s24 =	sand.u32 $0x80, s25;
	s30 =	sadd.s32 s26, s16;
	v62 =	vld [tilespmem:s22+$0x410];
	[tilespmem:s31+$0x0] =	vst v57  }
0x55: {  	v63 =	vld [tilespmem:s22+$0x420];
	s20 =	sadd.s32 $0x1, s20;
	s24 =	sadd.s32 s24, s30;
	[tilespmem:s31+$0x10] =	vst v58  }
0x56: {  	p2 =	sne.s32 s20, $0x8;
	v0 =	vld.idx.msk [tilespmem:v0+s24+$0x400 ss:$0x1], $0xffff;
	[tilespmem:s31+$0x20] =	vst v59  }
.Ltmp4:
0x57: {  	[tilespmem:s31+$0x30] =	vst v60;
	(pc) =	sbr.rel @p2 .LBB1_3-.Ltmp4, $4  }
0x58: {  	[tilespmem:s31+$0xFFFFFBF0] =	vst v61  }
0x59: {  	[tilespmem:s31+$0x40] =	vst v62  }
0x5a: {  	s21 =	sadd.s32 $0x800, s21;
	s14 =	sadd.s32 $0x800, s14;
	[tilespmem:s31+$0x50] =	vst v63  }
0x5b: {  	s19 =	sadd.s32 $0x80, s19;
	p1 =	por !p1, !p1;
	s15 =	sadd.s32 $0x80, s15;
	[tilespmem:s21+$0x0] =	vst v0  }
0x5c: {  	s14 =	sshll.u32 s11, $0x8;
	s31 =	sshll.u32 s11, $0x7  }
.Ltmp5:
0x5d: {  	s14 =	sand.u32 $0x800, s14;
	s11 =	sand.u32 $0x380, s31;
	(pc) =	sbr.rel .LBB1_7-.Ltmp5, $4  }
0x5e: {  	s12 =	sshll.u32 s12, $0xC;
	s11 =	sor.u32 s11, s14  }
0x5f: {  	s12 =	sadd.s32 s2, s12;
	s11 =	sshrl.u32 s11, $0x3  }
0x60: {  	s11 =	sadd.s32 s11, s12  }
0x61: {  	[hbm4b:s11+s6] =	stream.strided.scatter [tilespmem:s13], [sflag:$0x2], $0x4000, s7, s6, $0x38;
	[tilespmem:$0x10000] =	vst v63  }
.LBB1_8:
0x62: {  	_ =	sfence.sel $0x180000  }
0x63: {  	s2 =	simm.s32 $0x1;
	[bflag:$0x0] =	sbarrier.arrive $0xFFFF  }
0x64: {  	s31 =	simm.s32 $0x2;
	[sflag:s2] =	ssyncpa.u1 $0x1  }
0x65: {  	[sflag:s31] =	ssyncpa.u1 $0x1  }
0x66: {  	p0 =	sne.s32 s1, $0x0;
	_ =	strace $0x9000004A  }
0x67: {  	s0 =	sadd.s32 @!p0 $0x100000, s0;
	[bflag:$0x2] =	sbarrier.arrive $0xFFFF  }
0x68: {  	[sflag:s0] =	ssyncadd.tile.s32 @!p0 $0x1;
	_ =	shalt  }
.Lfunc_end1:
_tile_overlayer_lowered:
.L_overlay_start_2:
0x69: {  	(tag) =	ssettag $0x2  }
0x6a: {  	s0 =	rddreg [dreg:$0x0];
	s2 =	stileid.u32  }
0x6b: {  	s1 =	rddreg [dreg:$0x1];
	p0 =	sne.s32 s2, $0x0  }
0x6c: {  	s3 =	rddreg [dreg:$0x2];
	[bflag:$0x3] =	sbarrier.arrive $0xFFFF;
	s2 =	simm.s32 @!p0 $0x1C01  }
0x6d: {  	[timem:s3], [sflag:s2] =	dma.local @!p0 [hbm:s0], s1  }
0x6e: {  	s0 =	simm.s32 @!p0 $0x1  }
0x6f: {  	_ =	swait.ge @!p0 [sflag:s0], s1  }
0x70: {  	s1 =	ssub.s32 @!p0 $0x0, s1;
	[sflag:s0] =	ssyncset.done @!p0 $0x0  }
0x71: {  	[sflag:s0] =	ssyncadd.s32 @!p0 s1  }
0x72: {  	[bflag:$0x3] =	sbarrier.arrive $0xFFFF  }
0x73: {  	_ =	shalt  }

</sc_bundles>
